<compile_context>
chip_gen: v7x
topology: tpu7x:2x2x1
jax: 0.10.2.dev20260603
libtpu: 0.0.44.dev20260713+nightly
codegen_flags: <defaults>
</compile_context>

<pallas_src>
import functools

import jax
import jax.numpy as jnp
from jax import lax
from jax.experimental import pallas as pl
from jax.experimental.pallas import tpu as pltpu
from jax.experimental.pallas import tpu_sc as plsc

_NC = 2
_NS = 16
_CH = 128


def _cdiv(a, b):
    return (a + b - 1) // b



def _mm_body(x_ref, w_ref, o_ref):
    o_ref[:, :] = jnp.dot(x_ref[:, :], w_ref[:, :],
                          preferred_element_type=jnp.float32)


def _proj_body(obs_ref, w_ref, b_ref, o_ref):
    o_ref[:, :] = (jnp.dot(obs_ref[:, :], w_ref[:, :],
                           preferred_element_type=jnp.float32)
                   + b_ref[:, :])


def _gru_body(H, s_ref, m_ref, p_ref, wz_ref, bz_ref, wc_ref, bc_ref,
              out_ref, part_ref):
    s = s_ref[0]
    comb = m_ref[0] + p_ref[0, 0]
    wz = wz_ref[:, :]
    wc = wc_ref[:, :]
    zi = (jnp.dot(s, wz[:H], preferred_element_type=jnp.float32)
          + jnp.dot(comb, wz[H:], preferred_element_type=jnp.float32)
          + bz_ref[:, :])
    ci = (jnp.dot(s, wc[:H], preferred_element_type=jnp.float32)
          + jnp.dot(comb, wc[H:], preferred_element_type=jnp.float32)
          + bc_ref[:, :])
    z = jax.nn.sigmoid(zi)
    c = jnp.tanh(ci)
    nxt = s + z * (c - s)
    out_ref[0] = nxt
    part_ref[0, 0, 0, :] = jnp.sum(nxt, axis=0)


def _head_body(N, part_ref, wd_ref, bd_ref, wm_ref, bm_ref, wls_ref, bls_ref,
               mean_ref, ls_ref):
    readout = jnp.sum(part_ref[:, :, 0, :], axis=1) * (1.0 / N)
    dec = jnp.tanh(jnp.dot(readout, wd_ref[:, :],
                           preferred_element_type=jnp.float32) + bd_ref[:, :])
    mean_ref[:, :] = jnp.dot(dec, wm_ref[:, :],
                             preferred_element_type=jnp.float32) + bm_ref[:, :]
    ls_ref[:, :] = jnp.clip(
        jnp.dot(dec, wls_ref[:, :], preferred_element_type=jnp.float32)
        + bls_ref[:, :], -5.0, 2.0)



_IG = 40


def _make_sc_scatter(B, N_pad, H, cpt):
    npt = N_pad // _NS
    ngrp = cpt // _IG

    mesh = plsc.VectorSubcoreMesh(core_axis_name="c", subcore_axis_name="s",
                                  num_cores=_NC, num_subcores=_NS)

    @functools.partial(
        pl.kernel,
        mesh=mesh,
        out_type=jax.ShapeDtypeStruct((B, N_pad, H), jnp.float32),
        scratch_types=[
            pltpu.VMEM((_IG, 64), jnp.int32),
            pltpu.VMEM((_IG, _CH), jnp.int32),
            pltpu.VMEM((64, 2 * H), jnp.float32),
            pltpu.VMEM((64, 2 * H), jnp.float32),
            pltpu.VMEM_SHARED((N_pad, H), jnp.float32),
            pltpu.SemaphoreType.DMA,
            pltpu.SemaphoreType.DMA,
            pltpu.SemaphoreType.DMA,
            pltpu.SemaphoreType.DMA,
        ],
    )
    def sc_scatter(msg_hbm, src_hbm, dst_hbm, zeros_hbm, out_hbm,
                   src_v, dst_v, rows_a, rows_b, acc_sh,
                   gs_a, gs_b, ss_a, ss_b):
        cid = lax.axis_index("c")
        sid = lax.axis_index("s")
        pltpu.sync_copy(zeros_hbm, acc_sh.at[pl.ds(sid * npt, npt)])
        plsc.subcore_barrier()

        def group(g, carry):
            base = sid * cpt + g * _IG
            pltpu.sync_copy(src_hbm.at[cid, pl.ds(base, _IG)], src_v)
            pltpu.sync_copy(dst_hbm.at[pl.ds(base, _IG)], dst_v)
            pltpu.async_copy(msg_hbm.at[src_v.at[0]], rows_a, gs_a)
            pltpu.async_copy(msg_hbm.at[src_v.at[1]], rows_b, gs_b)

            def pair(p, c2):
                c0 = 2 * p
                c1 = c0 + 1
                pltpu.make_async_copy(msg_hbm.at[pl.ds(0, 64)], rows_a,
                                      gs_a).wait()
                pltpu.make_async_copy(msg_hbm.at[pl.ds(0, 64)], rows_b,
                                      gs_b).wait()

                @pl.when(c0 + 2 < _IG)
                def _():
                    pltpu.async_copy(msg_hbm.at[src_v.at[c0 + 2]], rows_a,
                                     gs_a)

                @pl.when(c1 + 2 < _IG)
                def _():
                    pltpu.async_copy(msg_hbm.at[src_v.at[c1 + 2]], rows_b,
                                     gs_b)
                return c2

            lax.fori_loop(0, _IG // 2, pair, 0)
            return carry

        lax.fori_loop(0, ngrp, group, 0)
        plsc.subcore_barrier()
        pltpu.sync_copy(acc_sh.at[pl.ds(sid * npt, npt)],
                        out_hbm.at[cid, pl.ds(sid * npt, npt)])

    return sc_scatter



def kernel(obs, state, W_in, b_in, W_msg, W_z, b_z, W_c, b_c, W_dec, b_dec,
           W_m, b_m, W_ls, b_ls, edge_index):
    B, N, H = state.shape
    E = edge_index.shape[1]
    OBS = obs.shape[1]
    A = W_m.shape[1]

    BN = B * N
    bm = 2000
    msg = pl.pallas_call(
        _mm_body,
        grid=(BN // bm,),
        in_specs=[pl.BlockSpec((bm, H), lambda i: (i, 0)),
                  pl.BlockSpec((H, H), lambda i: (0, 0))],
        out_specs=pl.BlockSpec((bm, H), lambda i: (i, 0)),
        out_shape=jax.ShapeDtypeStruct((BN, H), jnp.float32),
    )(state.reshape(BN, H), W_msg)

    projected = pl.pallas_call(
        _proj_body,
        out_shape=jax.ShapeDtypeStruct((B, H), jnp.float32),
    )(obs, W_in, b_in.reshape(1, H))

    cpt = _cdiv(E, _CH * _NS * 8) * 8
    e_pad = cpt * _NS * _CH
    n_pad = _cdiv(N + 8, _NS * 8) * _NS * 8

    src = edge_index[0]
    dst = edge_index[1]
    pad = e_pad - E
    src_p = jnp.concatenate([src, jnp.zeros((pad,), jnp.int32)])
    dst_p = jnp.concatenate([dst, jnp.full((pad,), N, jnp.int32)])
    offs = (jnp.arange(B, dtype=jnp.int32) * N)[:, None]
    src2 = ((src_p[None, : cpt * _NS * 64] + offs) // 2).reshape(
        B, cpt * _NS, 64)
    dst2 = dst_p.reshape(cpt * _NS, _CH)
    zeros_hbm = jnp.zeros((n_pad // _NS, H), jnp.float32)

    messages = _make_sc_scatter(B, n_pad, H, cpt)(
        msg.reshape(BN // 2, 2 * H), src2, dst2, zeros_hbm)

    bn = 2000
    nb = N // bn
    next_state, partials = pl.pallas_call(
        functools.partial(_gru_body, H),
        grid=(B, nb),
        in_specs=[
            pl.BlockSpec((1, bn, H), lambda b, i: (b, i, 0)),
            pl.BlockSpec((1, bn, H), lambda b, i: (b, i, 0)),
            pl.BlockSpec((1, 1, H), lambda b, i: (b, 0, 0)),
            pl.BlockSpec((2 * H, H), lambda b, i: (0, 0)),
            pl.BlockSpec((1, H), lambda b, i: (0, 0)),
            pl.BlockSpec((2 * H, H), lambda b, i: (0, 0)),
            pl.BlockSpec((1, H), lambda b, i: (0, 0)),
        ],
        out_specs=[
            pl.BlockSpec((1, bn, H), lambda b, i: (b, i, 0)),
            pl.BlockSpec((1, 1, 1, H), lambda b, i: (b, i, 0, 0)),
        ],
        out_shape=[
            jax.ShapeDtypeStruct((B, N, H), jnp.float32),
            jax.ShapeDtypeStruct((B, nb, 1, H), jnp.float32),
        ],
    )(state, messages, projected.reshape(B, 1, H), W_z, b_z.reshape(1, H),
      W_c, b_c.reshape(1, H))

    mean, log_std = pl.pallas_call(
        functools.partial(_head_body, N),
        out_shape=[jax.ShapeDtypeStruct((B, A), jnp.float32),
                   jax.ShapeDtypeStruct((B, A), jnp.float32)],
    )(partials, W_dec, b_dec.reshape(1, H), W_m, b_m.reshape(1, A),
      W_ls, b_ls.reshape(1, A))

    return (mean, log_std, next_state)

# --- scband reference (transcript-rebuilt; emitter-appended) ---
"""Pipeline reference for scband-whole-brain-rate-model-11725260718115 (READ-ONLY COPY).

The authoritative reference and input builder live on the scoring server;
editing this copy changes nothing except your own understanding.
"""

import jax, jax.numpy as jnp
import numpy as np

B = 2
N = 10000
H = 128
E = 320000
OBS = 256
A = 32


def setup_inputs(seed: int = 0) -> dict:
    key = jax.random.key(seed)
    ks = jax.random.split(key, 18)
    obs = jax.random.normal(ks[0], (B, OBS), dtype=jnp.float32)
    state = jax.random.normal(ks[1], (B, N, H), dtype=jnp.float32)
    edge_index = jax.random.randint(ks[2], (2, E), 0, N, dtype=jnp.int32)
    s_obs = 1.0 / np.sqrt(OBS)
    s_h = 1.0 / np.sqrt(H)
    s_2h = 1.0 / np.sqrt(2 * H)
    W_in = jax.random.normal(ks[3], (OBS, H), jnp.float32) * s_obs
    b_in = jax.random.normal(ks[4], (H,), jnp.float32) * s_obs
    W_msg = jax.random.normal(ks[5], (H, H), jnp.float32) * s_h
    W_z = jax.random.normal(ks[6], (2 * H, H), jnp.float32) * s_2h
    b_z = jax.random.normal(ks[7], (H,), jnp.float32) * s_2h
    W_c = jax.random.normal(ks[8], (2 * H, H), jnp.float32) * s_2h
    b_c = jax.random.normal(ks[9], (H,), jnp.float32) * s_2h
    W_dec = jax.random.normal(ks[10], (H, H), jnp.float32) * s_h
    b_dec = jax.random.normal(ks[11], (H,), jnp.float32) * s_h
    W_m = jax.random.normal(ks[12], (H, A), jnp.float32) * s_h
    b_m = jax.random.normal(ks[13], (A,), jnp.float32) * s_h
    W_ls = jax.random.normal(ks[14], (H, A), jnp.float32) * s_h
    b_ls = jax.random.normal(ks[15], (A,), jnp.float32) * s_h
    return {
        "obs": obs,
        "state": state,
        "W_in": W_in,
        "b_in": b_in,
        "W_msg": W_msg,
        "W_z": W_z,
        "b_z": b_z,
        "W_c": W_c,
        "b_c": b_c,
        "W_dec": W_dec,
        "b_dec": b_dec,
        "W_m": W_m,
        "b_m": b_m,
        "W_ls": W_ls,
        "b_ls": b_ls,
        "edge_index": edge_index,
    }


def reference(obs, state, W_in, b_in, W_msg, W_z, b_z, W_c, b_c, W_dec, b_dec, W_m, b_m, W_ls, b_ls, edge_index):
    # _inject_inputs: afferent_indices is empty -> broadcast projection to all nodes
    projected = obs @ W_in + b_in                      # [B, H]
    injected = jnp.broadcast_to(projected[:, None, :], state.shape)  # [B, N, H]
    # _propagate: gather source node states, project, scatter-add to destination nodes
    src = edge_index[0]
    dst = edge_index[1]
    source_state = jnp.take(state, src, axis=1) @ W_msg  # [B, E, H]
    messages = jnp.zeros_like(state).at[:, dst, :].add(source_state)  # [B, N, H]
    # GRU-style update
    combined = messages + injected
    gate_input = jnp.concatenate([state, combined], axis=-1)  # [B, N, 2H]
    update_gate = jax.nn.sigmoid(gate_input @ W_z + b_z)
    candidate = jnp.tanh(gate_input @ W_c + b_c)
    next_state = (1.0 - update_gate) * state + update_gate * candidate
    # _readout: efferent_indices empty -> mean over all nodes
    readout = next_state.mean(axis=1)                  # [B, H]
    decoded = jnp.tanh(readout @ W_dec + b_dec)
    mean = decoded @ W_m + b_m
    log_std = jnp.clip(decoded @ W_ls + b_ls, -5.0, 2.0)
    return (mean, log_std, next_state)

if __name__ == "__main__":
    import jax
    _d = setup_inputs()
    print(jax.jit(kernel)(*tuple(_d.values())))

</pallas_src>

<mosaic_0001>
#map = affine_map<(d0, d1) -> (0, 0)>
#map1 = affine_map<(d0, d1) -> (0, 0, 0)>
module attributes {stable_mosaic.version = 14 : i64} {
  func.func @sc_scatter(%arg0: i32, %arg1: i32, %arg2: memref<10000x256xf32, #tpu.memory_space<hbm>>, %arg3: memref<2x2560x64xi32, #tpu.memory_space<hbm>>, %arg4: memref<2560x128xi32, #tpu.memory_space<hbm>>, %arg5: memref<632x128xf32, #tpu.memory_space<hbm>>, %arg6: memref<2x10112x128xf32, #tpu.memory_space<hbm>>, %arg7: memref<40x64xi32, #tpu.memory_space<vmem>>, %arg8: memref<40x128xi32, #tpu.memory_space<vmem>>, %arg9: memref<64x256xf32, #tpu.memory_space<vmem>>, %arg10: memref<64x256xf32, #tpu.memory_space<vmem>>, %arg11: memref<10112x128xf32, #tpu.memory_space<vmem_shared>>, %arg12: memref<!tpu.dma_semaphore, #tpu.memory_space<semaphore_mem>>, %arg13: memref<!tpu.dma_semaphore, #tpu.memory_space<semaphore_mem>>, %arg14: memref<!tpu.dma_semaphore, #tpu.memory_space<semaphore_mem>>, %arg15: memref<!tpu.dma_semaphore, #tpu.memory_space<semaphore_mem>>) attributes {dimension_semantics = [#tpu.dimension_semantics<core_parallel>, #tpu.dimension_semantics<subcore_parallel>], iteration_bounds = array<i64: 2, 16>, scalar_prefetch = 0 : i64, scratch_operands = 9 : i64, tpu.core_type = #tpu.core_type<sc_vector_subcore>, window_params = [{transform_indices = #map}, {transform_indices = #map1}, {transform_indices = #map}, {transform_indices = #map}, {transform_indices = #map1}]} {
    %mul3A = arith.constant 632 : i32
    %mul3A_0 = arith.muli %arg1, %mul3A : i32
    "tpu.region"() ({
      %run_scoped3A = tpu.sem_alloc : memref<!tpu.dma_semaphore, #tpu.memory_space<semaphore_mem>>
      %dma_start3A = arith.constant 0 : i32
      %dma_start3A_11 = tpu.memref_slice %arg11[%mul3A_0, %dma_start3A] : memref<10112x128xf32, #tpu.memory_space<vmem_shared>> -> memref<632x128xf32, #tpu.memory_space<vmem_shared>>
      tpu.enqueue_dma source(%arg5 : memref<632x128xf32, #tpu.memory_space<hbm>>) target(%dma_start3A_11 : memref<632x128xf32, #tpu.memory_space<vmem_shared>>) target_semaphore(%run_scoped3A : memref<!tpu.dma_semaphore, #tpu.memory_space<semaphore_mem>>)
      %dma_wait3A = arith.constant 0 : i32
      %dma_wait3A_12 = tpu.memref_slice %arg11[%mul3A_0, %dma_wait3A] : memref<10112x128xf32, #tpu.memory_space<vmem_shared>> -> memref<632x128xf32, #tpu.memory_space<vmem_shared>>
      tpu.wait_dma2 semaphore(%run_scoped3A : memref<!tpu.dma_semaphore, #tpu.memory_space<semaphore_mem>>) src(%arg5 : memref<632x128xf32, #tpu.memory_space<hbm>>) dst(%dma_wait3A_12 : memref<632x128xf32, #tpu.memory_space<vmem_shared>>)
      tpu.yield
    }) : () -> ()
    %barrier3A = arith.constant 0 : index
    tpu.barrier barrier_id(%barrier3A)
    %scan3A = arith.constant 0 : i32
    %scan3A_1 = arith.constant 0 : i32
    %scan3A_2 = arith.constant 4 : i32
    %scan3A_3 = arith.addi %scan3A_1, %scan3A_2 : i32
    %scan3A_4 = arith.constant 1 : i32
    scf.for %scan3A_11 = %scan3A_1 to %scan3A_3 step %scan3A_4  : i32 {
      %mul3A_12 = arith.constant 160 : i32
      %mul3A_13 = arith.muli %arg1, %mul3A_12 : i32
      %mul3A_14 = arith.constant 40 : i32
      %mul3A_15 = arith.muli %scan3A_11, %mul3A_14 : i32
      %add3A = arith.addi %mul3A_13, %mul3A_15 : i32
      "tpu.region"() ({
        %run_scoped3A = tpu.sem_alloc : memref<!tpu.dma_semaphore, #tpu.memory_space<semaphore_mem>>
        %dma_start3A_35 = arith.constant 0 : i32
        %dma_start3A_36 = tpu.memref_slice %arg3[%arg0, %add3A, %dma_start3A_35] : memref<2x2560x64xi32, #tpu.memory_space<hbm>> -> memref<1x40x64xi32, #tpu.memory_space<hbm>>
        %dma_start3A_37 = tpu.memref_squeeze %dma_start3A_36 : memref<1x40x64xi32, #tpu.memory_space<hbm>> -> memref<40x64xi32, #tpu.memory_space<hbm>>
        %dma_start3A_38 = arith.constant 0 : i32
        %dma_start3A_39 = tpu.memref_slice %arg3[%arg0, %add3A, %dma_start3A_38] : memref<2x2560x64xi32, #tpu.memory_space<hbm>> -> memref<1x40x64xi32, #tpu.memory_space<hbm>>
        %dma_start3A_40 = tpu.memref_squeeze %dma_start3A_39 : memref<1x40x64xi32, #tpu.memory_space<hbm>> -> memref<40x64xi32, #tpu.memory_space<hbm>>
        tpu.enqueue_dma source(%dma_start3A_40 : memref<40x64xi32, #tpu.memory_space<hbm>>) target(%arg7 : memref<40x64xi32, #tpu.memory_space<vmem>>) target_semaphore(%run_scoped3A : memref<!tpu.dma_semaphore, #tpu.memory_space<semaphore_mem>>)
        %dma_wait3A = arith.constant 0 : i32
        %dma_wait3A_41 = tpu.memref_slice %arg3[%arg0, %add3A, %dma_wait3A] : memref<2x2560x64xi32, #tpu.memory_space<hbm>> -> memref<1x40x64xi32, #tpu.memory_space<hbm>>
        %dma_wait3A_42 = tpu.memref_squeeze %dma_wait3A_41 : memref<1x40x64xi32, #tpu.memory_space<hbm>> -> memref<40x64xi32, #tpu.memory_space<hbm>>
        %dma_wait3A_43 = arith.constant 0 : i32
        %dma_wait3A_44 = tpu.memref_slice %arg3[%arg0, %add3A, %dma_wait3A_43] : memref<2x2560x64xi32, #tpu.memory_space<hbm>> -> memref<1x40x64xi32, #tpu.memory_space<hbm>>
        %dma_wait3A_45 = tpu.memref_squeeze %dma_wait3A_44 : memref<1x40x64xi32, #tpu.memory_space<hbm>> -> memref<40x64xi32, #tpu.memory_space<hbm>>
        tpu.wait_dma2 semaphore(%run_scoped3A : memref<!tpu.dma_semaphore, #tpu.memory_space<semaphore_mem>>) src(%dma_wait3A_45 : memref<40x64xi32, #tpu.memory_space<hbm>>) dst(%arg7 : memref<40x64xi32, #tpu.memory_space<vmem>>)
        tpu.yield
      }) : () -> ()
      "tpu.region"() ({
        %run_scoped3A = tpu.sem_alloc : memref<!tpu.dma_semaphore, #tpu.memory_space<semaphore_mem>>
        %dma_start3A_35 = arith.constant 0 : i32
        %dma_start3A_36 = tpu.memref_slice %arg4[%add3A, %dma_start3A_35] : memref<2560x128xi32, #tpu.memory_space<hbm>> -> memref<40x128xi32, #tpu.memory_space<hbm>>
        %dma_start3A_37 = arith.constant 0 : i32
        %dma_start3A_38 = tpu.memref_slice %arg4[%add3A, %dma_start3A_37] : memref<2560x128xi32, #tpu.memory_space<hbm>> -> memref<40x128xi32, #tpu.memory_space<hbm>>
        tpu.enqueue_dma source(%dma_start3A_38 : memref<40x128xi32, #tpu.memory_space<hbm>>) target(%arg8 : memref<40x128xi32, #tpu.memory_space<vmem>>) target_semaphore(%run_scoped3A : memref<!tpu.dma_semaphore, #tpu.memory_space<semaphore_mem>>)
        %dma_wait3A = arith.constant 0 : i32
        %dma_wait3A_39 = tpu.memref_slice %arg4[%add3A, %dma_wait3A] : memref<2560x128xi32, #tpu.memory_space<hbm>> -> memref<40x128xi32, #tpu.memory_space<hbm>>
        %dma_wait3A_40 = arith.constant 0 : i32
        %dma_wait3A_41 = tpu.memref_slice %arg4[%add3A, %dma_wait3A_40] : memref<2560x128xi32, #tpu.memory_space<hbm>> -> memref<40x128xi32, #tpu.memory_space<hbm>>
        tpu.wait_dma2 semaphore(%run_scoped3A : memref<!tpu.dma_semaphore, #tpu.memory_space<semaphore_mem>>) src(%dma_wait3A_41 : memref<40x128xi32, #tpu.memory_space<hbm>>) dst(%arg8 : memref<40x128xi32, #tpu.memory_space<vmem>>)
        tpu.yield
      }) : () -> ()
      %dma_start3A = arith.constant 0 : i32
      %dma_start3A_16 = arith.constant 0 : i32
      %dma_start3A_17 = tpu.memref_slice %arg7[%dma_start3A, %dma_start3A_16] : memref<40x64xi32, #tpu.memory_space<vmem>> -> memref<1x64xi32, #tpu.memory_space<vmem>>
      %dma_start3A_18 = tpu.memref_squeeze %dma_start3A_17 : memref<1x64xi32, #tpu.memory_space<vmem>> -> memref<64xi32, #tpu.memory_space<vmem>>
      %dma_start3A_19 = arith.constant 0 : i32
      %dma_start3A_20 = arith.constant 0 : i32
      %dma_start3A_21 = tpu.memref_slice %arg2[%dma_start3A_19, %dma_start3A_20] : memref<10000x256xf32, #tpu.memory_space<hbm>> -> memref<10000x256xf32, #tpu.memory_space<hbm>>
      tpu.enqueue_indirect_dma source(%dma_start3A_21 : memref<10000x256xf32, #tpu.memory_space<hbm>>) target(%arg9 : memref<64x256xf32, #tpu.memory_space<vmem>>) offsets(%dma_start3A_18 : memref<64xi32, #tpu.memory_space<vmem>>) semaphore(%arg12 : memref<!tpu.dma_semaphore, #tpu.memory_space<semaphore_mem>>)
      %dma_start3A_22 = arith.constant 1 : i32
      %dma_start3A_23 = arith.constant 0 : i32
      %dma_start3A_24 = tpu.memref_slice %arg7[%dma_start3A_22, %dma_start3A_23] : memref<40x64xi32, #tpu.memory_space<vmem>> -> memref<1x64xi32, #tpu.memory_space<vmem>>
      %dma_start3A_25 = tpu.memref_squeeze %dma_start3A_24 : memref<1x64xi32, #tpu.memory_space<vmem>> -> memref<64xi32, #tpu.memory_space<vmem>>
      %dma_start3A_26 = arith.constant 0 : i32
      %dma_start3A_27 = arith.constant 0 : i32
      %dma_start3A_28 = tpu.memref_slice %arg2[%dma_start3A_26, %dma_start3A_27] : memref<10000x256xf32, #tpu.memory_space<hbm>> -> memref<10000x256xf32, #tpu.memory_space<hbm>>
      tpu.enqueue_indirect_dma source(%dma_start3A_28 : memref<10000x256xf32, #tpu.memory_space<hbm>>) target(%arg10 : memref<64x256xf32, #tpu.memory_space<vmem>>) offsets(%dma_start3A_25 : memref<64xi32, #tpu.memory_space<vmem>>) semaphore(%arg13 : memref<!tpu.dma_semaphore, #tpu.memory_space<semaphore_mem>>)
      %scan3A_29 = arith.constant 0 : i32
      %scan3A_30 = arith.constant 0 : i32
      %scan3A_31 = arith.constant 20 : i32
      %scan3A_32 = arith.addi %scan3A_30, %scan3A_31 : i32
      %scan3A_33 = arith.constant 1 : i32
      scf.for %scan3A_35 = %scan3A_30 to %scan3A_32 step %scan3A_33  : i32 {
        %mul3A_36 = arith.constant 2 : i32
        %mul3A_37 = arith.muli %mul3A_36, %scan3A_35 : i32
        %add3A_38 = arith.constant 1 : i32
        %add3A_39 = arith.addi %mul3A_37, %add3A_38 : i32
        %dma_wait3A = arith.constant 0 : i32
        %dma_wait3A_40 = arith.constant 0 : i32
        %dma_wait3A_41 = tpu.memref_slice %arg2[%dma_wait3A, %dma_wait3A_40] : memref<10000x256xf32, #tpu.memory_space<hbm>> -> memref<64x256xf32, #tpu.memory_space<hbm>>
        %dma_wait3A_42 = arith.constant 0 : i32
        %dma_wait3A_43 = arith.constant 0 : i32
        %dma_wait3A_44 = tpu.memref_slice %arg2[%dma_wait3A_42, %dma_wait3A_43] : memref<10000x256xf32, #tpu.memory_space<hbm>> -> memref<64x256xf32, #tpu.memory_space<hbm>>
        tpu.wait_dma2 semaphore(%arg12 : memref<!tpu.dma_semaphore, #tpu.memory_space<semaphore_mem>>) src(%dma_wait3A_44 : memref<64x256xf32, #tpu.memory_space<hbm>>) dst(%arg9 : memref<64x256xf32, #tpu.memory_space<vmem>>)
        %dma_wait3A_45 = arith.constant 0 : i32
        %dma_wait3A_46 = arith.constant 0 : i32
        %dma_wait3A_47 = tpu.memref_slice %arg2[%dma_wait3A_45, %dma_wait3A_46] : memref<10000x256xf32, #tpu.memory_space<hbm>> -> memref<64x256xf32, #tpu.memory_space<hbm>>
        %dma_wait3A_48 = arith.constant 0 : i32
        %dma_wait3A_49 = arith.constant 0 : i32
        %dma_wait3A_50 = tpu.memref_slice %arg2[%dma_wait3A_48, %dma_wait3A_49] : memref<10000x256xf32, #tpu.memory_space<hbm>> -> memref<64x256xf32, #tpu.memory_space<hbm>>
        tpu.wait_dma2 semaphore(%arg13 : memref<!tpu.dma_semaphore, #tpu.memory_space<semaphore_mem>>) src(%dma_wait3A_50 : memref<64x256xf32, #tpu.memory_space<hbm>>) dst(%arg10 : memref<64x256xf32, #tpu.memory_space<vmem>>)
        %add3A_51 = arith.constant 2 : i32
        %add3A_52 = arith.addi %mul3A_37, %add3A_51 : i32
        %lt3A = arith.constant 40 : i32
        %lt3A_53 = arith.cmpi slt, %add3A_52, %lt3A : i32
        %convert_element_type3A = arith.extui %lt3A_53 : i1 to i32
        %cond3A = arith.constant 0 : i32
        %cond3A_54 = arith.cmpi ne, %convert_element_type3A, %cond3A : i32
        scf.if %cond3A_54 {
          %add3A_62 = arith.constant 2 : i32
          %add3A_63 = arith.addi %mul3A_37, %add3A_62 : i32
          %dma_start3A_64 = arith.constant 0 : i32
          %dma_start3A_65 = tpu.memref_slice %arg7[%add3A_63, %dma_start3A_64] : memref<40x64xi32, #tpu.memory_space<vmem>> -> memref<1x64xi32, #tpu.memory_space<vmem>>
          %dma_start3A_66 = tpu.memref_squeeze %dma_start3A_65 : memref<1x64xi32, #tpu.memory_space<vmem>> -> memref<64xi32, #tpu.memory_space<vmem>>
          %dma_start3A_67 = arith.constant 0 : i32
          %dma_start3A_68 = arith.constant 0 : i32
          %dma_start3A_69 = tpu.memref_slice %arg2[%dma_start3A_67, %dma_start3A_68] : memref<10000x256xf32, #tpu.memory_space<hbm>> -> memref<10000x256xf32, #tpu.memory_space<hbm>>
          tpu.enqueue_indirect_dma source(%dma_start3A_69 : memref<10000x256xf32, #tpu.memory_space<hbm>>) target(%arg9 : memref<64x256xf32, #tpu.memory_space<vmem>>) offsets(%dma_start3A_66 : memref<64xi32, #tpu.memory_space<vmem>>) semaphore(%arg12 : memref<!tpu.dma_semaphore, #tpu.memory_space<semaphore_mem>>)
        } else {
        }
        %add3A_55 = arith.constant 2 : i32
        %add3A_56 = arith.addi %add3A_39, %add3A_55 : i32
        %lt3A_57 = arith.constant 40 : i32
        %lt3A_58 = arith.cmpi slt, %add3A_56, %lt3A_57 : i32
        %convert_element_type3A_59 = arith.extui %lt3A_58 : i1 to i32
        %cond3A_60 = arith.constant 0 : i32
        %cond3A_61 = arith.cmpi ne, %convert_element_type3A_59, %cond3A_60 : i32
        scf.if %cond3A_61 {
          %add3A_62 = arith.constant 2 : i32
          %add3A_63 = arith.addi %add3A_39, %add3A_62 : i32
          %dma_start3A_64 = arith.constant 0 : i32
          %dma_start3A_65 = tpu.memref_slice %arg7[%add3A_63, %dma_start3A_64] : memref<40x64xi32, #tpu.memory_space<vmem>> -> memref<1x64xi32, #tpu.memory_space<vmem>>
          %dma_start3A_66 = tpu.memref_squeeze %dma_start3A_65 : memref<1x64xi32, #tpu.memory_space<vmem>> -> memref<64xi32, #tpu.memory_space<vmem>>
          %dma_start3A_67 = arith.constant 0 : i32
          %dma_start3A_68 = arith.constant 0 : i32
          %dma_start3A_69 = tpu.memref_slice %arg2[%dma_start3A_67, %dma_start3A_68] : memref<10000x256xf32, #tpu.memory_space<hbm>> -> memref<10000x256xf32, #tpu.memory_space<hbm>>
          tpu.enqueue_indirect_dma source(%dma_start3A_69 : memref<10000x256xf32, #tpu.memory_space<hbm>>) target(%arg10 : memref<64x256xf32, #tpu.memory_space<vmem>>) offsets(%dma_start3A_66 : memref<64xi32, #tpu.memory_space<vmem>>) semaphore(%arg13 : memref<!tpu.dma_semaphore, #tpu.memory_space<semaphore_mem>>)
        } else {
        }
      }
      %scan3A_34 = arith.constant 20 : i32
    }
    %scan3A_5 = arith.constant 4 : i32
    %barrier3A_6 = arith.constant 0 : index
    tpu.barrier barrier_id(%barrier3A_6)
    %mul3A_7 = arith.constant 632 : i32
    %mul3A_8 = arith.muli %arg1, %mul3A_7 : i32
    %mul3A_9 = arith.constant 632 : i32
    %mul3A_10 = arith.muli %arg1, %mul3A_9 : i32
    "tpu.region"() ({
      %run_scoped3A = tpu.sem_alloc : memref<!tpu.dma_semaphore, #tpu.memory_space<semaphore_mem>>
      %dma_start3A = arith.constant 0 : i32
      %dma_start3A_11 = tpu.memref_slice %arg6[%arg0, %mul3A_10, %dma_start3A] : memref<2x10112x128xf32, #tpu.memory_space<hbm>> -> memref<1x632x128xf32, #tpu.memory_space<hbm>>
      %dma_start3A_12 = tpu.memref_squeeze %dma_start3A_11 : memref<1x632x128xf32, #tpu.memory_space<hbm>> -> memref<632x128xf32, #tpu.memory_space<hbm>>
      %dma_start3A_13 = arith.constant 0 : i32
      %dma_start3A_14 = tpu.memref_slice %arg11[%mul3A_8, %dma_start3A_13] : memref<10112x128xf32, #tpu.memory_space<vmem_shared>> -> memref<632x128xf32, #tpu.memory_space<vmem_shared>>
      tpu.enqueue_dma source(%dma_start3A_14 : memref<632x128xf32, #tpu.memory_space<vmem_shared>>) target(%dma_start3A_12 : memref<632x128xf32, #tpu.memory_space<hbm>>) target_semaphore(%run_scoped3A : memref<!tpu.dma_semaphore, #tpu.memory_space<semaphore_mem>>)
      %dma_wait3A = arith.constant 0 : i32
      %dma_wait3A_15 = tpu.memref_slice %arg6[%arg0, %mul3A_10, %dma_wait3A] : memref<2x10112x128xf32, #tpu.memory_space<hbm>> -> memref<1x632x128xf32, #tpu.memory_space<hbm>>
      %dma_wait3A_16 = tpu.memref_squeeze %dma_wait3A_15 : memref<1x632x128xf32, #tpu.memory_space<hbm>> -> memref<632x128xf32, #tpu.memory_space<hbm>>
      %dma_wait3A_17 = arith.constant 0 : i32
      %dma_wait3A_18 = tpu.memref_slice %arg11[%mul3A_8, %dma_wait3A_17] : memref<10112x128xf32, #tpu.memory_space<vmem_shared>> -> memref<632x128xf32, #tpu.memory_space<vmem_shared>>
      tpu.wait_dma2 semaphore(%run_scoped3A : memref<!tpu.dma_semaphore, #tpu.memory_space<semaphore_mem>>) src(%dma_wait3A_18 : memref<632x128xf32, #tpu.memory_space<vmem_shared>>) dst(%dma_wait3A_16 : memref<632x128xf32, #tpu.memory_space<hbm>>)
      tpu.yield
    }) : () -> ()
    return
  }
}

module attributes {stable_mosaic.version = 14 : i64} {
  func.func @_mm_body(%arg0: i32, %arg1: memref<2000x128xf32, #tpu.memory_space<vmem>>, %arg2: memref<128x128xf32, #tpu.memory_space<vmem>>, %arg3: memref<2000x128xf32, #tpu.memory_space<vmem>>) attributes {dimension_semantics = [#tpu.dimension_semantics<arbitrary>], iteration_bounds = array<i64: 10>, scalar_prefetch = 0 : i64, scratch_operands = 0 : i64, tpu.core_type = #tpu.core_type<tc>, window_params = [{transform_indices = @transform_0, window_bounds = array<i64: 2000, 128>}, {pipeline_mode = #tpu.pipeline_mode<synchronous>, transform_indices = @transform_1, window_bounds = array<i64: 128, 128>}, {transform_indices = @transform_2, window_bounds = array<i64: 2000, 128>}]} {
    %get3A = arith.constant 0 : index
    %get3A_0 = arith.constant 0 : index
    %get3A_1 = vector.load %arg1[%get3A, %get3A_0] : memref<2000x128xf32, #tpu.memory_space<vmem>>, vector<2000x128xf32>
    %get3A_2 = arith.constant 0 : index
    %get3A_3 = arith.constant 0 : index
    %get3A_4 = vector.load %arg2[%get3A_2, %get3A_3] : memref<128x128xf32, #tpu.memory_space<vmem>>, vector<128x128xf32>
    %dot_general3A = arith.constant dense<0.000000e+00> : vector<2000x128xf32>
    %dot_general3A_5 = tpu.matmul %get3A_1, %get3A_4, %dot_general3A {dimension_numbers = #tpu.dot_dimension_numbers<[1], [0], [0], [1], [0, 0, 1, 1], [], []>, transpose_lhs_hint = false} : vector<2000x128xf32>, vector<128x128xf32>, vector<2000x128xf32> -> vector<2000x128xf32>
    %swap3A = arith.constant 0 : index
    %swap3A_6 = arith.constant 0 : index
    %swap3A_7 = vector.load %arg3[%swap3A, %swap3A_6] : memref<2000x128xf32, #tpu.memory_space<vmem>>, vector<2000x128xf32>
    tpu.vector_store %arg3[%swap3A, %swap3A_6], %dot_general3A_5 {strides = array<i32>} : memref<2000x128xf32, #tpu.memory_space<vmem>>, vector<2000x128xf32>,
    return
  }
  func.func @transform_0(%arg0: i32) -> (i32, i32) {
    %c0_i32 = arith.constant 0 : i32
    %c0_i32_0 = arith.constant 0 : i32
    return %arg0, %c0_i32 : i32, i32
  }
  func.func @transform_1(%arg0: i32) -> (i32, i32) {
    %c0_i32 = arith.constant 0 : i32
    %c0_i32_0 = arith.constant 0 : i32
    %c0_i32_1 = arith.constant 0 : i32
    return %c0_i32, %c0_i32_0 : i32, i32
  }
  func.func @transform_2(%arg0: i32) -> (i32, i32) {
    %c0_i32 = arith.constant 0 : i32
    %c0_i32_0 = arith.constant 0 : i32
    return %arg0, %c0_i32 : i32, i32
  }
}

module attributes {stable_mosaic.version = 14 : i64} {
  func.func @_proj_body(%arg0: memref<2x256xf32, #tpu.memory_space<vmem>>, %arg1: memref<256x128xf32, #tpu.memory_space<vmem>>, %arg2: memref<1x128xf32, #tpu.memory_space<vmem>>, %arg3: memref<2x128xf32, #tpu.memory_space<vmem>>) attributes {dimension_semantics = [], scalar_prefetch = 0 : i64, scratch_operands = 0 : i64, tpu.core_type = #tpu.core_type<tc>} {
    %get3A = arith.constant 0 : index
    %get3A_0 = arith.constant 0 : index
    %get3A_1 = vector.load %arg0[%get3A, %get3A_0] : memref<2x256xf32, #tpu.memory_space<vmem>>, vector<2x256xf32>
    %get3A_2 = arith.constant 0 : index
    %get3A_3 = arith.constant 0 : index
    %get3A_4 = vector.load %arg1[%get3A_2, %get3A_3] : memref<256x128xf32, #tpu.memory_space<vmem>>, vector<256x128xf32>
    %dot_general3A = arith.constant dense<0.000000e+00> : vector<2x128xf32>
    %dot_general3A_5 = tpu.matmul %get3A_1, %get3A_4, %dot_general3A {dimension_numbers = #tpu.dot_dimension_numbers<[1], [0], [0], [1], [0, 0, 1, 1], [], []>, transpose_lhs_hint = false} : vector<2x256xf32>, vector<256x128xf32>, vector<2x128xf32> -> vector<2x128xf32>
    %get3A_6 = arith.constant 0 : index
    %get3A_7 = arith.constant 0 : index
    %get3A_8 = vector.load %arg2[%get3A_6, %get3A_7] : memref<1x128xf32, #tpu.memory_space<vmem>>, vector<1x128xf32>
    %add3A = vector.broadcast %get3A_8 : vector<1x128xf32> to vector<2x128xf32>
    %add3A_9 = arith.addf %dot_general3A_5, %add3A : vector<2x128xf32>
    %swap3A = arith.constant 0 : index
    %swap3A_10 = arith.constant 0 : index
    %swap3A_11 = vector.load %arg3[%swap3A, %swap3A_10] : memref<2x128xf32, #tpu.memory_space<vmem>>, vector<2x128xf32>
    tpu.vector_store %arg3[%swap3A, %swap3A_10], %add3A_9 {strides = array<i32>} : memref<2x128xf32, #tpu.memory_space<vmem>>, vector<2x128xf32>,
    return
  }
}

module attributes {stable_mosaic.version = 14 : i64} {
  func.func @_gru_body(%arg0: i32, %arg1: i32, %arg2: memref<1x2000x128xf32, #tpu.memory_space<vmem>>, %arg3: memref<1x2000x128xf32, #tpu.memory_space<vmem>>, %arg4: memref<1x1x128xf32, #tpu.memory_space<vmem>>, %arg5: memref<256x128xf32, #tpu.memory_space<vmem>>, %arg6: memref<1x128xf32, #tpu.memory_space<vmem>>, %arg7: memref<256x128xf32, #tpu.memory_space<vmem>>, %arg8: memref<1x128xf32, #tpu.memory_space<vmem>>, %arg9: memref<1x2000x128xf32, #tpu.memory_space<vmem>>, %arg10: memref<1x1x1x128xf32, #tpu.memory_space<vmem>>) attributes {dimension_semantics = [#tpu.dimension_semantics<arbitrary>, #tpu.dimension_semantics<arbitrary>], iteration_bounds = array<i64: 2, 5>, scalar_prefetch = 0 : i64, scratch_operands = 0 : i64, tpu.core_type = #tpu.core_type<tc>, window_params = [{transform_indices = @transform_0, window_bounds = array<i64: 1, 2000, 128>}, {transform_indices = @transform_1, window_bounds = array<i64: 1, 2000, 128>}, {transform_indices = @transform_2, window_bounds = array<i64: 1, 1, 128>}, {pipeline_mode = #tpu.pipeline_mode<synchronous>, transform_indices = @transform_3, window_bounds = array<i64: 256, 128>}, {pipeline_mode = #tpu.pipeline_mode<synchronous>, transform_indices = @transform_4, window_bounds = array<i64: 1, 128>}, {pipeline_mode = #tpu.pipeline_mode<synchronous>, transform_indices = @transform_5, window_bounds = array<i64: 256, 128>}, {pipeline_mode = #tpu.pipeline_mode<synchronous>, transform_indices = @transform_6, window_bounds = array<i64: 1, 128>}, {transform_indices = @transform_7, window_bounds = array<i64: 1, 2000, 128>}, {transform_indices = @transform_8, window_bounds = array<i64: 1, 1, 1, 128>}]} {
    %get3A = arith.constant 0 : index
    %get3A_0 = arith.constant 0 : index
    %get3A_1 = arith.constant 0 : index
    %get3A_2 = vector.load %arg2[%get3A, %get3A_0, %get3A_1] : memref<1x2000x128xf32, #tpu.memory_space<vmem>>, vector<1x2000x128xf32>
    %get3A_3 = vector.shape_cast %get3A_2 : vector<1x2000x128xf32> to vector<2000x128xf32>
    %get3A_4 = arith.constant 0 : index
    %get3A_5 = arith.constant 0 : index
    %get3A_6 = arith.constant 0 : index
    %get3A_7 = vector.load %arg3[%get3A_4, %get3A_5, %get3A_6] : memref<1x2000x128xf32, #tpu.memory_space<vmem>>, vector<1x2000x128xf32>
    %get3A_8 = vector.shape_cast %get3A_7 : vector<1x2000x128xf32> to vector<2000x128xf32>
    %get3A_9 = arith.constant 0 : index
    %get3A_10 = arith.constant 0 : index
    %get3A_11 = arith.constant 0 : index
    %get3A_12 = vector.load %arg4[%get3A_9, %get3A_10, %get3A_11] : memref<1x1x128xf32, #tpu.memory_space<vmem>>, vector<1x1x128xf32>
    %get3A_13 = vector.shape_cast %get3A_12 : vector<1x1x128xf32> to vector<128xf32>
    %broadcast_in_dim3A = vector.shape_cast %get3A_13 : vector<128xf32> to vector<1x128xf32>
    %add3A = vector.broadcast %broadcast_in_dim3A : vector<1x128xf32> to vector<2000x128xf32>
    %add3A_14 = arith.addf %get3A_8, %add3A : vector<2000x128xf32>
    %get3A_15 = arith.constant 0 : index
    %get3A_16 = arith.constant 0 : index
    %get3A_17 = vector.load %arg5[%get3A_15, %get3A_16] : memref<256x128xf32, #tpu.memory_space<vmem>>, vector<256x128xf32>
    %get3A_18 = arith.constant 0 : index
    %get3A_19 = arith.constant 0 : index
    %get3A_20 = vector.load %arg7[%get3A_18, %get3A_19] : memref<256x128xf32, #tpu.memory_space<vmem>>, vector<256x128xf32>
    %slice3A = vector.extract_strided_slice %get3A_17 {offsets = [0, 0], sizes = [128, 128], strides = [1, 1]} : vector<256x128xf32> to vector<128x128xf32>
    %dot_general3A = arith.constant dense<0.000000e+00> : vector<2000x128xf32>
    %dot_general3A_21 = tpu.matmul %get3A_3, %slice3A, %dot_general3A {dimension_numbers = #tpu.dot_dimension_numbers<[1], [0], [0], [1], [0, 0, 1, 1], [], []>, transpose_lhs_hint = false} : vector<2000x128xf32>, vector<128x128xf32>, vector<2000x128xf32> -> vector<2000x128xf32>
    %slice3A_22 = vector.extract_strided_slice %get3A_17 {offsets = [128, 0], sizes = [128, 128], strides = [1, 1]} : vector<256x128xf32> to vector<128x128xf32>
    %dot_general3A_23 = arith.constant dense<0.000000e+00> : vector<2000x128xf32>
    %dot_general3A_24 = tpu.matmul %add3A_14, %slice3A_22, %dot_general3A_23 {dimension_numbers = #tpu.dot_dimension_numbers<[1], [0], [0], [1], [0, 0, 1, 1], [], []>, transpose_lhs_hint = false} : vector<2000x128xf32>, vector<128x128xf32>, vector<2000x128xf32> -> vector<2000x128xf32>
    %add3A_25 = arith.addf %dot_general3A_21, %dot_general3A_24 : vector<2000x128xf32>
    %get3A_26 = arith.constant 0 : index
    %get3A_27 = arith.constant 0 : index
    %get3A_28 = vector.load %arg6[%get3A_26, %get3A_27] : memref<1x128xf32, #tpu.memory_space<vmem>>, vector<1x128xf32>
    %add3A_29 = vector.broadcast %get3A_28 : vector<1x128xf32> to vector<2000x128xf32>
    %add3A_30 = arith.addf %add3A_25, %add3A_29 : vector<2000x128xf32>
    %slice3A_31 = vector.extract_strided_slice %get3A_20 {offsets = [0, 0], sizes = [128, 128], strides = [1, 1]} : vector<256x128xf32> to vector<128x128xf32>
    %dot_general3A_32 = arith.constant dense<0.000000e+00> : vector<2000x128xf32>
    %dot_general3A_33 = tpu.matmul %get3A_3, %slice3A_31, %dot_general3A_32 {dimension_numbers = #tpu.dot_dimension_numbers<[1], [0], [0], [1], [0, 0, 1, 1], [], []>, transpose_lhs_hint = false} : vector<2000x128xf32>, vector<128x128xf32>, vector<2000x128xf32> -> vector<2000x128xf32>
    %slice3A_34 = vector.extract_strided_slice %get3A_20 {offsets = [128, 0], sizes = [128, 128], strides = [1, 1]} : vector<256x128xf32> to vector<128x128xf32>
    %dot_general3A_35 = arith.constant dense<0.000000e+00> : vector<2000x128xf32>
    %dot_general3A_36 = tpu.matmul %add3A_14, %slice3A_34, %dot_general3A_35 {dimension_numbers = #tpu.dot_dimension_numbers<[1], [0], [0], [1], [0, 0, 1, 1], [], []>, transpose_lhs_hint = false} : vector<2000x128xf32>, vector<128x128xf32>, vector<2000x128xf32> -> vector<2000x128xf32>
    %add3A_37 = arith.addf %dot_general3A_33, %dot_general3A_36 : vector<2000x128xf32>
    %get3A_38 = arith.constant 0 : index
    %get3A_39 = arith.constant 0 : index
    %get3A_40 = vector.load %arg8[%get3A_38, %get3A_39] : memref<1x128xf32, #tpu.memory_space<vmem>>, vector<1x128xf32>
    %add3A_41 = vector.broadcast %get3A_40 : vector<1x128xf32> to vector<2000x128xf32>
    %add3A_42 = arith.addf %add3A_37, %add3A_41 : vector<2000x128xf32>
    %logistic3A = arith.negf %add3A_30 : vector<2000x128xf32>
    %logistic3A_43 = math.exp %logistic3A : vector<2000x128xf32>
    %logistic3A_44 = arith.constant 1.000000e+00 : f32
    %logistic3A_45 = vector.broadcast %logistic3A_44 : f32 to vector<2000x128xf32>
    %logistic3A_46 = arith.addf %logistic3A_45, %logistic3A_43 : vector<2000x128xf32>
    %logistic3A_47 = arith.divf %logistic3A_45, %logistic3A_46 : vector<2000x128xf32>
    %tanh3A = math.tanh %add3A_42 : vector<2000x128xf32>
    %sub3A = arith.subf %tanh3A, %get3A_3 : vector<2000x128xf32>
    %mul3A = arith.mulf %logistic3A_47, %sub3A : vector<2000x128xf32>
    %add3A_48 = arith.addf %get3A_3, %mul3A : vector<2000x128xf32>
    %swap3A = arith.constant 0 : index
    %swap3A_49 = arith.constant 0 : index
    %swap3A_50 = arith.constant 0 : index
    %swap3A_51 = vector.load %arg9[%swap3A, %swap3A_49, %swap3A_50] : memref<1x2000x128xf32, #tpu.memory_space<vmem>>, vector<1x2000x128xf32>
    %swap3A_52 = vector.shape_cast %swap3A_51 : vector<1x2000x128xf32> to vector<2000x128xf32>
    %swap3A_53 = vector.shape_cast %add3A_48 : vector<2000x128xf32> to vector<1x2000x128xf32>
    tpu.vector_store %arg9[%swap3A, %swap3A_49, %swap3A_50], %swap3A_53 {strides = array<i32>} : memref<1x2000x128xf32, #tpu.memory_space<vmem>>, vector<1x2000x128xf32>,
    %reduce_sum3A = arith.constant dense<0.000000e+00> : vector<128xf32>
    %reduce_sum3A_54 = vector.multi_reduction <add>, %add3A_48, %reduce_sum3A [0] : vector<2000x128xf32> to vector<128xf32>
    %swap3A_55 = arith.constant 0 : index
    %swap3A_56 = arith.constant 0 : index
    %swap3A_57 = arith.constant 0 : index
    %swap3A_58 = arith.constant 0 : index
    %swap3A_59 = vector.load %arg10[%swap3A_55, %swap3A_56, %swap3A_57, %swap3A_58] : memref<1x1x1x128xf32, #tpu.memory_space<vmem>>, vector<1x1x1x128xf32>
    %swap3A_60 = vector.shape_cast %swap3A_59 : vector<1x1x1x128xf32> to vector<128xf32>
    %swap3A_61 = vector.shape_cast %reduce_sum3A_54 : vector<128xf32> to vector<1x1x1x128xf32>
    tpu.vector_store %arg10[%swap3A_55, %swap3A_56, %swap3A_57, %swap3A_58], %swap3A_61 {strides = array<i32>} : memref<1x1x1x128xf32, #tpu.memory_space<vmem>>, vector<1x1x1x128xf32>,
    return
  }
  func.func @transform_0(%arg0: i32, %arg1: i32) -> (i32, i32, i32) {
    %c0_i32 = arith.constant 0 : i32
    %c0_i32_0 = arith.constant 0 : i32
    return %arg0, %arg1, %c0_i32 : i32, i32, i32
  }
  func.func @transform_1(%arg0: i32, %arg1: i32) -> (i32, i32, i32) {
    %c0_i32 = arith.constant 0 : i32
    %c0_i32_0 = arith.constant 0 : i32
    return %arg0, %arg1, %c0_i32 : i32, i32, i32
  }
  func.func @transform_2(%arg0: i32, %arg1: i32) -> (i32, i32, i32) {
    %c0_i32 = arith.constant 0 : i32
    %c0_i32_0 = arith.constant 0 : i32
    %c0_i32_1 = arith.constant 0 : i32
    return %arg0, %c0_i32, %c0_i32_0 : i32, i32, i32
  }
  func.func @transform_3(%arg0: i32, %arg1: i32) -> (i32, i32) {
    %c0_i32 = arith.constant 0 : i32
    %c0_i32_0 = arith.constant 0 : i32
    %c0_i32_1 = arith.constant 0 : i32
    return %c0_i32, %c0_i32_0 : i32, i32
  }
  func.func @transform_4(%arg0: i32, %arg1: i32) -> (i32, i32) {
    %c0_i32 = arith.constant 0 : i32
    %c0_i32_0 = arith.constant 0 : i32
    %c0_i32_1 = arith.constant 0 : i32
    return %c0_i32, %c0_i32_0 : i32, i32
  }
  func.func @transform_5(%arg0: i32, %arg1: i32) -> (i32, i32) {
    %c0_i32 = arith.constant 0 : i32
    %c0_i32_0 = arith.constant 0 : i32
    %c0_i32_1 = arith.constant 0 : i32
    return %c0_i32, %c0_i32_0 : i32, i32
  }
  func.func @transform_6(%arg0: i32, %arg1: i32) -> (i32, i32) {
    %c0_i32 = arith.constant 0 : i32
    %c0_i32_0 = arith.constant 0 : i32
    %c0_i32_1 = arith.constant 0 : i32
    return %c0_i32, %c0_i32_0 : i32, i32
  }
  func.func @transform_7(%arg0: i32, %arg1: i32) -> (i32, i32, i32) {
    %c0_i32 = arith.constant 0 : i32
    %c0_i32_0 = arith.constant 0 : i32
    return %arg0, %arg1, %c0_i32 : i32, i32, i32
  }
  func.func @transform_8(%arg0: i32, %arg1: i32) -> (i32, i32, i32, i32) {
    %c0_i32 = arith.constant 0 : i32
    %c0_i32_0 = arith.constant 0 : i32
    %c0_i32_1 = arith.constant 0 : i32
    return %arg0, %arg1, %c0_i32, %c0_i32_0 : i32, i32, i32, i32
  }
}

module attributes {stable_mosaic.version = 14 : i64} {
  func.func @_head_body(%arg0: memref<2x5x1x128xf32, #tpu.memory_space<vmem>>, %arg1: memref<128x128xf32, #tpu.memory_space<vmem>>, %arg2: memref<1x128xf32, #tpu.memory_space<vmem>>, %arg3: memref<128x32xf32, #tpu.memory_space<vmem>>, %arg4: memref<1x32xf32, #tpu.memory_space<vmem>>, %arg5: memref<128x32xf32, #tpu.memory_space<vmem>>, %arg6: memref<1x32xf32, #tpu.memory_space<vmem>>, %arg7: memref<2x32xf32, #tpu.memory_space<vmem>>, %arg8: memref<2x32xf32, #tpu.memory_space<vmem>>) attributes {dimension_semantics = [], scalar_prefetch = 0 : i64, scratch_operands = 0 : i64, tpu.core_type = #tpu.core_type<tc>} {
    %get3A = arith.constant 0 : index
    %get3A_0 = arith.constant 0 : index
    %get3A_1 = arith.constant 0 : index
    %get3A_2 = arith.constant 0 : index
    %get3A_3 = vector.load %arg0[%get3A, %get3A_0, %get3A_1, %get3A_2] : memref<2x5x1x128xf32, #tpu.memory_space<vmem>>, vector<2x5x1x128xf32>
    %get3A_4 = vector.shape_cast %get3A_3 : vector<2x5x1x128xf32> to vector<2x5x128xf32>
    %reduce_sum3A = arith.constant dense<0.000000e+00> : vector<2x128xf32>
    %reduce_sum3A_5 = vector.multi_reduction <add>, %get3A_4, %reduce_sum3A [1] : vector<2x5x128xf32> to vector<2x128xf32>
    %mul3A = arith.constant 9.99999974E-5 : f32
    %mul3A_6 = vector.broadcast %mul3A : f32 to vector<2x128xf32>
    %mul3A_7 = arith.mulf %reduce_sum3A_5, %mul3A_6 : vector<2x128xf32>
    %get3A_8 = arith.constant 0 : index
    %get3A_9 = arith.constant 0 : index
    %get3A_10 = vector.load %arg1[%get3A_8, %get3A_9] : memref<128x128xf32, #tpu.memory_space<vmem>>, vector<128x128xf32>
    %dot_general3A = arith.constant dense<0.000000e+00> : vector<2x128xf32>
    %dot_general3A_11 = tpu.matmul %mul3A_7, %get3A_10, %dot_general3A {dimension_numbers = #tpu.dot_dimension_numbers<[1], [0], [0], [1], [0, 0, 1, 1], [], []>, transpose_lhs_hint = false} : vector<2x128xf32>, vector<128x128xf32>, vector<2x128xf32> -> vector<2x128xf32>
    %get3A_12 = arith.constant 0 : index
    %get3A_13 = arith.constant 0 : index
    %get3A_14 = vector.load %arg2[%get3A_12, %get3A_13] : memref<1x128xf32, #tpu.memory_space<vmem>>, vector<1x128xf32>
    %add3A = vector.broadcast %get3A_14 : vector<1x128xf32> to vector<2x128xf32>
    %add3A_15 = arith.addf %dot_general3A_11, %add3A : vector<2x128xf32>
    %tanh3A = math.tanh %add3A_15 : vector<2x128xf32>
    %get3A_16 = arith.constant 0 : index
    %get3A_17 = arith.constant 0 : index
    %get3A_18 = vector.load %arg3[%get3A_16, %get3A_17] : memref<128x32xf32, #tpu.memory_space<vmem>>, vector<128x32xf32>
    %dot_general3A_19 = arith.constant dense<0.000000e+00> : vector<2x32xf32>
    %dot_general3A_20 = tpu.matmul %tanh3A, %get3A_18, %dot_general3A_19 {dimension_numbers = #tpu.dot_dimension_numbers<[1], [0], [0], [1], [0, 0, 1, 1], [], []>, transpose_lhs_hint = false} : vector<2x128xf32>, vector<128x32xf32>, vector<2x32xf32> -> vector<2x32xf32>
    %get3A_21 = arith.constant 0 : index
    %get3A_22 = arith.constant 0 : index
    %get3A_23 = vector.load %arg4[%get3A_21, %get3A_22] : memref<1x32xf32, #tpu.memory_space<vmem>>, vector<1x32xf32>
    %add3A_24 = vector.broadcast %get3A_23 : vector<1x32xf32> to vector<2x32xf32>
    %add3A_25 = arith.addf %dot_general3A_20, %add3A_24 : vector<2x32xf32>
    %swap3A = arith.constant 0 : index
    %swap3A_26 = arith.constant 0 : index
    %swap3A_27 = vector.load %arg7[%swap3A, %swap3A_26] : memref<2x32xf32, #tpu.memory_space<vmem>>, vector<2x32xf32>
    tpu.vector_store %arg7[%swap3A, %swap3A_26], %add3A_25 {strides = array<i32>} : memref<2x32xf32, #tpu.memory_space<vmem>>, vector<2x32xf32>,
    %get3A_28 = arith.constant 0 : index
    %get3A_29 = arith.constant 0 : index
    %get3A_30 = vector.load %arg5[%get3A_28, %get3A_29] : memref<128x32xf32, #tpu.memory_space<vmem>>, vector<128x32xf32>
    %dot_general3A_31 = arith.constant dense<0.000000e+00> : vector<2x32xf32>
    %dot_general3A_32 = tpu.matmul %tanh3A, %get3A_30, %dot_general3A_31 {dimension_numbers = #tpu.dot_dimension_numbers<[1], [0], [0], [1], [0, 0, 1, 1], [], []>, transpose_lhs_hint = false} : vector<2x128xf32>, vector<128x32xf32>, vector<2x32xf32> -> vector<2x32xf32>
    %get3A_33 = arith.constant 0 : index
    %get3A_34 = arith.constant 0 : index
    %get3A_35 = vector.load %arg6[%get3A_33, %get3A_34] : memref<1x32xf32, #tpu.memory_space<vmem>>, vector<1x32xf32>
    %add3A_36 = vector.broadcast %get3A_35 : vector<1x32xf32> to vector<2x32xf32>
    %add3A_37 = arith.addf %dot_general3A_32, %add3A_36 : vector<2x32xf32>
    %jit3A = arith.constant -5.000000e+00 : f32
    %jit3A_38 = arith.constant 2.000000e+00 : f32
    %max3A = vector.broadcast %jit3A : f32 to vector<2x32xf32>
    %max3A_39 = arith.maximumf %max3A, %add3A_37 : vector<2x32xf32>
    %min3A = vector.broadcast %jit3A_38 : f32 to vector<2x32xf32>
    %min3A_40 = arith.minimumf %min3A, %max3A_39 : vector<2x32xf32>
    %swap3A_41 = arith.constant 0 : index
    %swap3A_42 = arith.constant 0 : index
    %swap3A_43 = vector.load %arg8[%swap3A_41, %swap3A_42] : memref<2x32xf32, #tpu.memory_space<vmem>>, vector<2x32xf32>
    tpu.vector_store %arg8[%swap3A_41, %swap3A_42], %min3A_40 {strides = array<i32>} : memref<2x32xf32, #tpu.memory_space<vmem>>, vector<2x32xf32>,
    return
  }
}

</mosaic_0001>

<sc_bundles>
// kernel: kernel.7.cloned.1.call-start
scs
__scs_entry_jumppad:
0x0: {  	(pc) =	sbr.rel $0x88, $3  }
0x1: {  	(tag) =	ssettag $0x0;
	lr =	simm.s32 $0x1  }
0x2: {  	[smem:$0x3F91] =	sst lr;
	_ =	strace $0xD0000000  }
0x3: {  	_ = 	snop  }
0x4: {  	_ = 	snop  }
0x5: {  	_ = 	snop  }
0x6: {  	_ = 	snop  }
0x7: {  	_ = 	snop  }
__scs_overlays_trampoline_lowered:
0x8: {  	[smem:$0x3FA0] =	sst s0  }
0x9: {  	[smem:$0x3FA1] =	sst s1  }
0xa: {  	[smem:$0x3FA2] =	sst s2  }
0xb: {  	[smem:$0x3FA3] =	sst s3  }
0xc: {  	[smem:$0x3FA4] =	sst s4  }
0xd: {  	[smem:$0x3FA5] =	sst s5  }
0xe: {  	[smem:$0x3FA6] =	sst s6  }
0xf: {  	[smem:$0x3FA7] =	sst s7  }
0x10: {  	[smem:$0x3FA8] =	sst s8  }
0x11: {  	[smem:$0x3FA9] =	sst s9;
	s0 =	simm.s32 @!p0 $0x0  }
0x12: {  	s1 =	sld [smem:$0x3F8F];
	s0 =	simm.s32 @p0 $0x1  }
0x13: {  	[smem:$0x3FAA] =	sst s0;
	s0 =	simm.s32 @!p1 $0x0  }
0x14: {  	s2 =	sld [smem:$0x3F8E];
	s0 =	simm.s32 @p1 $0x1  }
0x15: {  	[smem:$0x3FAB] =	sst s0;
	s0 =	simm.s32 @!p2 $0x0  }
0x16: {  	s3 =	sld [smem:$0x3FDB];
	s0 =	simm.s32 @p2 $0x1  }
0x17: {  	s4 =	simm.s32 $0x1BF5;
	[smem:$0x3FAD] =	sst s0  }
0x18: {  	s0 =	sld [smem:$0x3F90];
	_ =	swait.ge [sflag:s4], $0x0  }
0x19: {  	s7 =	sld [smem:$0x3F91]  }
0x1a: {  	s8 =	sadd.s32 $0xFFFFE003, lr  }
0x1b: {  	s9 =	sadd.s32 $0xFFFFFEF7, lr;
	s5 =	simm.s32 $0xFFFFFFFF;
	p2 =	slt.u32 s8, $0xFFFFF086  }
0x1c: {  	p1 =	slt.u32 s9, $0xF7A;
	s5 =	simm.s32 @!p2 $0x0  }
0x1d: {  	s5 =	simm.s32 @p1 $0x1;
	p0 =	seq.s32 s7, s2  }
0x1e: {  	s7 =	smul.u32 @!p0 $0xF7A, s2;
	p2 =	seq.s32 @!p0 s5, $0x0  }
0x1f: {  	s9 =	smul.u32 $0xF7A, s1;
	s8 =	simm.s32 @!p0 $0x1BF5;
	p2 =	por !p2, p0  }
0x20: {  	[sflag:s8] =	ssyncset.s32 @!p0 $0xFFFFF086;
	s6 =	sadd.s32 @!p0 s3, s7;
	s7 =	simm.s32 @!p0 $0x108  }
0x21: {  	s3 =	sadd.s32 s3, s9;
	s6 =	sadd.s32 @!p0 $0x88, s6;
	s7 =	simm.s32 @p2 $0x1082  }
0x22: {  	[simem:s7], [sflag:s8] =	dma.local @!p0 [hbm:s6], $0xF7A  }
0x23: {  	s9 =	sor.u32 $0xD0000000, s2;
	s6 =	simm.s32 $0x108;
	_ =	swait.ge @!p0 [sflag:s8], $0x0  }
0x24: {  	s3 =	sadd.s32 $0x88, s3;
	s6 =	simm.s32 @!p1 $0x1082;
	[sflag:s4] =	ssyncset.s32 $0xFFFFF086  }
0x25: {  	[simem:s6], [sflag:s4] =	dma.local [hbm:s3], $0xF7A  }
0x26: {  	[smem:$0x3F91] =	sst s1;
	(tag) =	ssettag s2;
	_ =	strace s9  }
0x27: {  	s1 =	sld [smem:$0x3FA1]  }
0x28: {  	s2 =	sld [smem:$0x3FA2]  }
0x29: {  	s4 =	sld [smem:$0x3FA4]  }
0x2a: {  	p0 =	seq.s32 s5, $0x0;
	s5 =	sld [smem:$0x3FA5]  }
0x2b: {  	s6 =	sld [smem:$0x3FA6]  }
0x2c: {  	s7 =	sld [smem:$0x3FA7]  }
0x2d: {  	s3 =	simm.s32 $0x108;
	s8 =	sld [smem:$0x3FA8]  }
0x2e: {  	s3 =	simm.s32 @!p0 $0x1082;
	s9 =	sld [smem:$0x3FA9]  }
0x2f: {  	lr =	sadd.s32 s0, s3;
	s0 =	sld [smem:$0x3FA0]  }
0x30: {  	s3 =	sld [smem:$0x3FA3]  }
0x31: {  	[smem:$0x3FAC] =	sst s10  }
0x32: {  	s10 =	sld [smem:$0x3FAA];
	_ =	sdelay $0x3  }
0x33: {  	p0 =	seq.s32 s10, $0x1;
	s10 =	sld [smem:$0x3FAC];
	_ =	sdelay $0x3  }
0x34: {  	[smem:$0x3FAC] =	sst s10  }
0x35: {  	s10 =	sld [smem:$0x3FAB];
	_ =	sdelay $0x3  }
0x36: {  	p1 =	seq.s32 s10, $0x1;
	s10 =	sld [smem:$0x3FAC];
	_ =	sdelay $0x3  }
0x37: {  	[smem:$0x3FAC] =	sst s10  }
0x38: {  	s10 =	sld [smem:$0x3FAD]  }
0x39: {  	_ = 	snop;
	(pc) =	sbr.ind lr, $3  }
0x3a: {  	_ = 	snop  }
0x3b: {  	_ = 	snop  }
0x3c: {  	p2 =	seq.s32 s10, $0x1;
	s10 =	sld [smem:$0x3FAC]  }
0x3d: {  	_ =	shalt  }
0x3e: {  	_ =	shalt  }
0x3f: {  	_ =	shalt  }
0x40: {  	_ =	shalt  }
0x41: {  	_ =	shalt  }
0x42: {  	_ =	shalt  }
0x43: {  	_ =	shalt  }
0x44: {  	_ =	shalt  }
0x45: {  	_ =	shalt  }
0x46: {  	_ =	shalt  }
0x47: {  	_ =	shalt  }
0x48: {  	_ =	shalt  }
0x49: {  	_ =	shalt  }
0x4a: {  	_ =	shalt  }
0x4b: {  	_ =	shalt  }
0x4c: {  	_ =	shalt  }
0x4d: {  	_ =	shalt  }
0x4e: {  	_ =	shalt  }
0x4f: {  	_ =	shalt  }
0x50: {  	_ =	shalt  }
0x51: {  	_ =	shalt  }
0x52: {  	_ =	shalt  }
0x53: {  	_ =	shalt  }
0x54: {  	_ =	shalt  }
0x55: {  	_ =	shalt  }
0x56: {  	_ =	shalt  }
0x57: {  	_ =	shalt  }
0x58: {  	_ =	shalt  }
0x59: {  	_ =	shalt  }
0x5a: {  	_ =	shalt  }
0x5b: {  	_ =	shalt  }
0x5c: {  	_ =	shalt  }
0x5d: {  	_ =	shalt  }
0x5e: {  	_ =	shalt  }
0x5f: {  	_ =	shalt  }
0x60: {  	_ =	shalt  }
0x61: {  	_ =	shalt  }
0x62: {  	_ =	shalt  }
0x63: {  	_ =	shalt  }
0x64: {  	_ =	shalt  }
0x65: {  	_ =	shalt  }
0x66: {  	_ =	shalt  }
0x67: {  	_ =	shalt  }
0x68: {  	_ =	shalt  }
0x69: {  	_ =	shalt  }
0x6a: {  	_ =	shalt  }
0x6b: {  	_ =	shalt  }
0x6c: {  	_ =	shalt  }
0x6d: {  	_ =	shalt  }
0x6e: {  	_ =	shalt  }
0x6f: {  	_ =	shalt  }
0x70: {  	_ =	shalt  }
0x71: {  	_ =	shalt  }
0x72: {  	_ =	shalt  }
0x73: {  	_ =	shalt  }
0x74: {  	_ =	shalt  }
0x75: {  	_ =	shalt  }
0x76: {  	_ =	shalt  }
0x77: {  	_ =	shalt  }
0x78: {  	_ =	shalt  }
0x79: {  	_ =	shalt  }
0x7a: {  	_ =	shalt  }
0x7b: {  	_ =	shalt  }
0x7c: {  	_ =	shalt  }
0x7d: {  	_ =	shalt  }
0x7e: {  	_ =	shalt  }
0x7f: {  	_ =	shalt  }
0x80: {  	_ =	shalt  }
0x81: {  	_ =	shalt  }
0x82: {  	_ =	shalt  }
0x83: {  	_ =	shalt  }
0x84: {  	_ =	shalt  }
0x85: {  	_ =	shalt  }
0x86: {  	_ =	shalt  }
0x87: {  	_ =	shalt  }
.Lfunc_end0:
.L_simem_size_0:
called_computation_lowered:
.L_overlay_start_0:
0x88: {  	s2 =	sld [smem:$0x3FD9]  }
0x89: {  	s3 =	sld [smem:$0x3FFE];
	_ =	sdelay $0x1  }
0x8a: {  	s1 =	srdreg.scid  }
0x8b: {  	s0 =	sand.u32 $0x1, s1  }
0x8c: {  	s14 =	sshll.u32 s0, $0xA;
	s2 =	sadd.s32 s3, s2  }
0x8d: {  	s2 =	sadd.s32 s2, s14  }
0x8e: {  	[smem:$0x3FB8] =	sst s2  }
0x8f: {  	_ = 	snop  }
0x90: {  	s2 =	sld [smem:$0x3FD0];
	_ =	sdelay $0x2  }
0x91: {  	s15 =	simm.s32 $0xA;
	s4 =	simm.s32 $0x10  }
0x92: {  	[smem:s4], [sflag:s15] =	dma.local [hbm:s2], $0x1  }
0x93: {  	_ =	swait.eq [sflag:s15], $0x1  }
0x94: {  	[sflag:s15] =	ssyncset.done $0x0  }
0x95: {  	[sflag:s15] =	ssyncadd.s32 $0xFFFFFFFF  }
0x96: {  	s16 =	sld [smem:$0x12];
	(tm) =	ssettm $0x1  }
0x97: {  	s17 =	sld [smem:$0x3FFB];
	_ =	sdelay $0x3  }
0x98: {  	_ =	strace s17  }
0x99: {  	s3 =	sld [smem:$0x3FFC];
	_ =	sdelay $0x3  }
0x9a: {  	_ =	strace s3  }
0x9b: {  	s3 =	sld [smem:$0x3FFD];
	_ =	sdelay $0x3  }
0x9c: {  	_ =	strace s3  }
0x9d: {  	_ =	strace $0x8FFFFFFF  }
0x9e: {  	s18 =	sld [smem:$0x3FDB];
	_ =	sdelay $0x1  }
0x9f: {  	s19 =	simm.s32 $_scs_section_size  }
0xa0: {  	s5 =	simm.s32 $_size__tile_overlayer_lowered;
	s6 =	simm.s32 $_tile_overlayer_lowered  }
0xa1: {  	s22 =	simm.s32 $0x1BFF;
	s21 =	sshll.u32 s6, $0x1;
	s3 =	sadd.s32 s19, s18  }
0xa2: {  	s7 =	simm.s32 $0x0;
	s20 =	sshll.u32 s5, $0x1;
	s5 =	sadd.s32 s21, s3  }
0xa3: {  	[timem:s7], [sflag:s22] =	dma.local [hbm:s5], s20  }
0xa4: {  	_ =	swait.ge [sflag:s22], s20  }
0xa5: {  	s4 =	ssub.s32 $0x0, s20;
	[sflag:s22] =	ssyncset.done $0x0  }
0xa6: {  	[sflag:s22] =	ssyncadd.s32 s4;
	_ =	sdelay $0x1  }
0xa7: {  	s23 =	simm.s32 $0x1B8B  }
0xa8: {  	_ =	swait.ge [sflag:s23], $0x1  }
0xa9: {  	[sflag:s23] =	ssyncset.done $0x0  }
0xaa: {  	s25 =	simm.s32 $0x1B8E;
	s24 =	sld [smem:$0x3FFE];
	[sflag:s23] =	ssyncadd.s32 $0xFFFFFFFF  }
0xab: {  	s26 =	simm.s32 $execute0_lowered;
	[smem:$0x3FD2] =	sst s25  }
0xac: {  	s5 =	sshll.u32 s26, $0x1;
	_ =	strace $0x80000046;
	[dreg:$0x1] =	wrdreg $0xFFFFFFFF  }
0xad: {  	s28 =	simm.s32 $_size_execute0_lowered;
	s3 =	sadd.s32 s3, s5;
	[dreg:$0x0] =	wrdreg $0x0  }
0xae: {  	s5 =	sshll.u32 s28, $0x1;
	[dreg:$0x2] =	wrdreg s3  }
0xaf: {  	[dreg:$0x3] =	wrdreg s5  }
0xb0: {  	[dreg:$0x4] =	wrdreg $0xC0  }
0xb1: {  	_ =	task [dreg:s7], $0x5FFFF  }
0xb2: {  	[dreg:$0x1] =	wrdreg $0xFFFFFFFF  }
0xb3: {  	[dreg:$0x0] =	wrdreg $0x60  }
0xb4: {  	[dreg:$0x2] =	wrdreg s16  }
0xb5: {  	[dreg:$0x3] =	wrdreg s24  }
0xb6: {  	[dreg:$0x4] =	wrdreg $0xA8000  }
0xb7: {  	[dreg:$0x5] =	wrdreg $0x9  }
0xb8: {  	_ =	task.clear_ibuf [dreg:s7], $0x6FFFF;
	_ =	strace $0x90000046  }
0xb9: {  	s29 =	simm.s32 $0x9;
	_ =	strace $0x80000048  }
0xba: {  	_ =	swait.ge [sflag:s29], $0x1  }
0xbb: {  	[sflag:s29] =	ssyncadd.s32 $0xFFFFFFFF  }
0xbc: {  	_ =	strace $0x90000048  }
0xbd: {  	_ =	sfence  }
0xbe: {  	s30 =	sld [smem:$0x0];
	_ =	sdelay $0x2  }
0xbf: {  	s31 =	sshll.u32 s1, $0xD;
	s1 =	sshrl.u32 s1, $0x2  }
0xc0: {  	s3 =	sand.u32 $0x4000, s31;
	s1 =	sadd.s32 s1, s30  }
0xc1: {  	s0 =	sor.u32 s3, s0;
	s1 =	sshll.u32 s1, $0x11  }
0xc2: {  	s0 =	sor.u32 s1, s0  }
0xc3: {  	s0 =	sadd.s32 $0x8F2B, s0  }
0xc4: {  	[sflag:s0] =	ssyncadd.remote.s32 $0x1  }
0xc5: {  	_ =	sfence.sel $0xFFFF  }
0xc6: {  	[dreg:$0x0] =	wrdreg $0xFFFFFFFF;
	(pc) =	sbr.abs _section_cstart, $3  }
0xc7: {  	[dreg:$0x1] =	wrdreg $0xFFFFFFFF  }
0xc8: {  	_ =	task.clear_ibuf [dreg:s7], $0x2FFFF;
	_ =	strace $0x9FFFFFFF  }
0xc9: {  	(tm) =	ssettm $0x7FFFFFFF  }
tec
execute0_lowered:
.L_overlay_start_1:
0x0: {  	(tag) =	ssettag $0x1  }
0x1: {  	s1 =	rddreg [dreg:$0x0]  }
0x2: {  	s0 =	rddreg [dreg:$0x1]  }
0x3: {  	s2 =	rddreg [dreg:$0x2];
	s3 =	srdreg.scid  }
0x4: {  	s11 =	stileid.u32;
	s13 =	simm.s32 $0x3;
	s14 =	simm.s32 $0x1400  }
0x5: {  	s15 =	simm.s32 $0x2800;
	s16 =	simm.s32 $0x3000;
	s17 =	simm.s32 $0x3800  }
0x6: {  	s18 =	simm.s32 $0x4000;
	s19 =	simm.s32 $0x4800;
	s20 =	simm.s32 $0x5000  }
0x7: {  	s21 =	simm.s32 $0x5800;
	s22 =	simm.s32 $0x6000;
	s28 =	simm.s32 $0x8800  }
0x8: {  	s29 =	simm.s32 $0x9000;
	s30 =	simm.s32 $0x9800;
	s31 =	simm.s32 $0xA000  }
0x9: {  	s6 =	sand.u32 $0x1, s3;
	s3 =	simm.s32 $0x0;
	s8 =	smul.u32 $0x13C00, s11  }
0xa: {  	s4 =	sadd.s32 $0xCA00, s0;
	s5 =	sadd.s32 $0x2A00, s0;
	s10 =	smul.u32 $0x4F000, s11  }
0xb: {  	s12 =	sadd.s32 $0x20A00, s0;
	s25 =	sshll.u32 s11, $0x6;
	[smem:$0x7FF] =	sst s3  }
0xc: {  	s7 =	smul.u32 $0x13C000, s6;
	s23 =	ssub.s32 $0x2, s6;
	_ =	strace $0x80000047  }
0xd: {  	s9 =	sshrl.u32 s23, $0x1;
	[dreg:$0x4] =	wrdreg s12;
	s24 =	sshrl.u32 s10, $0x2  }
0xe: {  	s10 =	sor.u32 $0x1C03, s25;
	s25 =	simm.s32 $0x7800;
	s7 =	sadd.s32 s8, s7  }
0xf: {  	s8 =	ssub.s32 s23, s9;
	s2 =	sadd.s32 s24, s2;
	s9 =	smul.u32 $0x50000, s6  }
0x10: {  	s23 =	simm.s32 $0x6800;
	s24 =	simm.s32 $0x7000;
	s7 =	sshrl.u32 s7, $0x3  }
0x11: {  	s6 =	simm.s32 $0x0;
	s26 =	smax.u32 s8, $0x1;
	s0 =	sadd.s32 s7, s0  }
0x12: {  	v2 =	vlaneseq.u32;
	s7 =	smul.u32 $0xA0, s11;
	[dreg:$0x6] =	wrdreg s26;
	s11 =	sshrl.u32 s2, $0x3  }
0x13: {  	vm0 =	vmmov $0xffff;
	v1 =	vshrl.u32 v2, $0x3;
	s26 =	simm.s32 $0x8000;
	s0 =	sadd.s32 $0x23200, s0;
	[dreg:$0x7] =	wrdreg s11  }
0x14: {  	v0 =	vand.u32 $0x7, v2;
	v2 =	vor.u32 $0x8, v2;
	v1 =	vmul.u32 $0x8, v1;
	s2 =	simm.s32 $0x2;
	[dreg:$0x5] =	wrdreg s0;
	s0 =	simm.s32 $0x1  }
.LBB2_1:
0x15: {  	s8 =	rddreg [dreg:$0x4]  }
0x16: {  	[spmem:s11], [sflag:s10] =	dma.local [hbm:s8], $0x2780  }
0x17: {  	_ =	swait.ge [sflag:s13], $0x2780  }
0x18: {  	[sflag:s13] =	ssyncset.done $0x0  }
0x19: {  	[sflag:s13] =	ssyncadd.s32 $0xFFFFD880  }
0x1a: {  	s12 =	smov.u32 s10;
	s10 =	simm.s32 $0x0;
	[bflag:$0x0] =	sbarrier.arrive $0xFFFF  }
.LBB2_2:
0x1b: {  	s8 =	smul.u32 $0x28, s10;
	_ =	sdelay $0x1  }
0x1c: {  	s8 =	sadd.s32 s7, s8  }
0x1d: {  	s11 =	sshll.u32 s8, $0x7  }
0x1e: {  	s11 =	sadd.s32 s9, s11  }
0x1f: {  	s11 =	sshrl.u32 s11, $0x3  }
0x20: {  	s11 =	sadd.s32 s4, s11  }
0x21: {  	[tilespmem:s3], [sflag:$0x3] =	stream.linear.gather [hbm4b:s11+s3], $0x1400, $0x38;
	[tilespmem:$0x1E400] =	vst v63  }
0x22: {  	_ =	swait.ge [sflag:s13], $0x1400  }
0x23: {  	s8 =	sshll.u32 s8, $0x4;
	[sflag:s13] =	ssyncset.done $0x0  }
0x24: {  	s8 =	sadd.s32 s5, s8;
	[sflag:s13] =	ssyncadd.s32 $0xFFFFEC00  }
0x25: {  	[tilespmem:s14], [sflag:$0x3] =	stream.linear.gather [hbm4b:s8+s3], $0x1400, $0x38;
	[tilespmem:$0x1E400] =	vst v63  }
0x26: {  	_ =	swait.ge [sflag:s13], $0x1400  }
0x27: {  	[sflag:s13] =	ssyncset.done $0x0  }
0x28: {  	[sflag:s13] =	ssyncadd.s32 $0xFFFFEC00  }
0x29: {  	v3 =	vld [tilespmem:$0x0];
	_ =	sdelay $0x4  }
0x2a: {  	v4 =	vshll.u32 v3, $0x1  }
0x2b: {  	v3 =	vand.u32 $0x7, v3;
	v4 =	vand.u32 $0xFFFFFFF0, v4  }
0x2c: {  	v3 =	vor.u32 v3, v4  }
0x2d: {  	v4 =	vperm.xlane v3, v0;
	_ =	sdelay $0x1  }
0x2e: {  	v3 =	vperm.xlane v3, v2;
	v4 =	vadd.s32 v1, v4;
	_ =	sdelay $0x1  }
0x2f: {  	v3 =	vadd.s32 v1, v3;
	_ =	sdelay $0x2  }
0x30: {  	[tilespmem:s15], [sflag:$0x1] =	stream.indirect_vreg.gather [hbm4b:s1+s3], $0x80, v4, vm0, $0xb8;
	[tilespmem:$0x1E400] =	vst v63  }
0x31: {  	_ = 	snop  }
0x32: {  	[tilespmem:s16], [sflag:$0x1] =	stream.indirect_vreg.gather [hbm4b:s1+s3], $0x80, v3, vm0, $0xb8;
	[tilespmem:$0x1E400] =	vst v63  }
0x33: {  	v3 =	vld [tilespmem:$0x10];
	_ =	sdelay $0x4  }
0x34: {  	v57 =	vshll.u32 v3, $0x1  }
0x35: {  	v3 =	vand.u32 $0x7, v3;
	v4 =	vand.u32 $0xFFFFFFF0, v57  }
0x36: {  	v3 =	vor.u32 v3, v4  }
0x37: {  	v4 =	vperm.xlane v3, v0;
	_ =	sdelay $0x1  }
0x38: {  	v3 =	vperm.xlane v3, v2;
	v4 =	vadd.s32 v1, v4;
	_ =	sdelay $0x1  }
0x39: {  	v3 =	vadd.s32 v1, v3;
	_ =	sdelay $0x2  }
0x3a: {  	[tilespmem:s17], [sflag:$0x1] =	stream.indirect_vreg.gather [hbm4b:s1+s3], $0x80, v4, vm0, $0xb8;
	[tilespmem:$0x1E400] =	vst v63  }
0x3b: {  	_ = 	snop  }
0x3c: {  	[tilespmem:s18], [sflag:$0x1] =	stream.indirect_vreg.gather [hbm4b:s1+s3], $0x80, v3, vm0, $0xb8;
	[tilespmem:$0x1E400] =	vst v63  }
0x3d: {  	v3 =	vld [tilespmem:$0x20];
	_ =	sdelay $0x4  }
0x3e: {  	v58 =	vshll.u32 v3, $0x1  }
0x3f: {  	v3 =	vand.u32 $0x7, v3;
	v4 =	vand.u32 $0xFFFFFFF0, v58  }
0x40: {  	v3 =	vor.u32 v3, v4  }
0x41: {  	v4 =	vperm.xlane v3, v0;
	_ =	sdelay $0x1  }
0x42: {  	v3 =	vperm.xlane v3, v2;
	v4 =	vadd.s32 v1, v4;
	_ =	sdelay $0x1  }
0x43: {  	v3 =	vadd.s32 v1, v3;
	_ =	sdelay $0x2  }
0x44: {  	[tilespmem:s19], [sflag:$0x1] =	stream.indirect_vreg.gather [hbm4b:s1+s3], $0x80, v4, vm0, $0xb8;
	[tilespmem:$0x1E400] =	vst v63  }
0x45: {  	_ = 	snop  }
0x46: {  	[tilespmem:s20], [sflag:$0x1] =	stream.indirect_vreg.gather [hbm4b:s1+s3], $0x80, v3, vm0, $0xb8;
	[tilespmem:$0x1E400] =	vst v63  }
0x47: {  	v3 =	vld [tilespmem:$0x30];
	_ =	sdelay $0x4  }
0x48: {  	v59 =	vshll.u32 v3, $0x1  }
0x49: {  	v3 =	vand.u32 $0x7, v3;
	v4 =	vand.u32 $0xFFFFFFF0, v59  }
0x4a: {  	v3 =	vor.u32 v3, v4  }
0x4b: {  	v4 =	vperm.xlane v3, v0;
	_ =	sdelay $0x1  }
0x4c: {  	v3 =	vperm.xlane v3, v2;
	v4 =	vadd.s32 v1, v4;
	_ =	sdelay $0x1  }
0x4d: {  	v3 =	vadd.s32 v1, v3;
	_ =	sdelay $0x2  }
0x4e: {  	[tilespmem:s21], [sflag:$0x1] =	stream.indirect_vreg.gather [hbm4b:s1+s3], $0x80, v4, vm0, $0xb8;
	[tilespmem:$0x1E400] =	vst v63  }
0x4f: {  	_ = 	snop  }
0x50: {  	[tilespmem:s22], [sflag:$0x1] =	stream.indirect_vreg.gather [hbm4b:s1+s3], $0x80, v3, vm0, $0xb8;
	[tilespmem:$0x1E400] =	vst v63  }
0x51: {  	v3 =	vld [tilespmem:$0x80];
	_ =	sdelay $0x4  }
0x52: {  	v60 =	vshll.u32 v3, $0x1  }
0x53: {  	v3 =	vand.u32 $0x7, v3;
	v4 =	vand.u32 $0xFFFFFFF0, v60  }
0x54: {  	v3 =	vor.u32 v3, v4  }
0x55: {  	v4 =	vperm.xlane v3, v0;
	_ =	sdelay $0x1  }
0x56: {  	v3 =	vperm.xlane v3, v2;
	v4 =	vadd.s32 v1, v4;
	_ =	sdelay $0x1  }
0x57: {  	v3 =	vadd.s32 v1, v3;
	_ =	sdelay $0x2  }
0x58: {  	[tilespmem:s23], [sflag:$0x2] =	stream.indirect_vreg.gather [hbm4b:s1+s3], $0x80, v4, vm0, $0xb8;
	[tilespmem:$0x1E400] =	vst v63  }
0x59: {  	_ = 	snop  }
0x5a: {  	[tilespmem:s24], [sflag:$0x2] =	stream.indirect_vreg.gather [hbm4b:s1+s3], $0x80, v3, vm0, $0xb8;
	[tilespmem:$0x1E400] =	vst v63  }
0x5b: {  	v3 =	vld [tilespmem:$0x90];
	_ =	sdelay $0x4  }
0x5c: {  	v61 =	vshll.u32 v3, $0x1  }
0x5d: {  	v3 =	vand.u32 $0x7, v3;
	v4 =	vand.u32 $0xFFFFFFF0, v61  }
0x5e: {  	v3 =	vor.u32 v3, v4  }
0x5f: {  	v4 =	vperm.xlane v3, v0;
	_ =	sdelay $0x1  }
0x60: {  	v3 =	vperm.xlane v3, v2;
	v4 =	vadd.s32 v1, v4;
	_ =	sdelay $0x1  }
0x61: {  	v3 =	vadd.s32 v1, v3;
	_ =	sdelay $0x2  }
0x62: {  	[tilespmem:s25], [sflag:$0x2] =	stream.indirect_vreg.gather [hbm4b:s1+s3], $0x80, v4, vm0, $0xb8;
	[tilespmem:$0x1E400] =	vst v63  }
0x63: {  	_ = 	snop  }
0x64: {  	[tilespmem:s26], [sflag:$0x2] =	stream.indirect_vreg.gather [hbm4b:s1+s3], $0x80, v3, vm0, $0xb8;
	[tilespmem:$0x1E400] =	vst v63  }
0x65: {  	v3 =	vld [tilespmem:$0xA0];
	_ =	sdelay $0x4  }
0x66: {  	v62 =	vshll.u32 v3, $0x1  }
0x67: {  	v3 =	vand.u32 $0x7, v3;
	v4 =	vand.u32 $0xFFFFFFF0, v62  }
0x68: {  	v3 =	vor.u32 v3, v4  }
0x69: {  	v4 =	vperm.xlane v3, v0;
	_ =	sdelay $0x1  }
0x6a: {  	v3 =	vperm.xlane v3, v2;
	v4 =	vadd.s32 v1, v4;
	_ =	sdelay $0x1  }
0x6b: {  	v3 =	vadd.s32 v1, v3;
	_ =	sdelay $0x2  }
0x6c: {  	[tilespmem:s28], [sflag:$0x2] =	stream.indirect_vreg.gather [hbm4b:s1+s3], $0x80, v4, vm0, $0xb8;
	[tilespmem:$0x1E400] =	vst v63  }
0x6d: {  	_ = 	snop  }
0x6e: {  	[tilespmem:s29], [sflag:$0x2] =	stream.indirect_vreg.gather [hbm4b:s1+s3], $0x80, v3, vm0, $0xb8;
	[tilespmem:$0x1E400] =	vst v63  }
0x6f: {  	v3 =	vld [tilespmem:$0xB0];
	_ =	sdelay $0x4  }
0x70: {  	v63 =	vshll.u32 v3, $0x1  }
0x71: {  	v3 =	vand.u32 $0x7, v3;
	v4 =	vand.u32 $0xFFFFFFF0, v63  }
0x72: {  	v3 =	vor.u32 v3, v4  }
0x73: {  	v4 =	vperm.xlane v3, v0;
	_ =	sdelay $0x1  }
0x74: {  	v3 =	vperm.xlane v3, v2;
	v4 =	vadd.s32 v1, v4;
	_ =	sdelay $0x1  }
0x75: {  	v3 =	vadd.s32 v1, v3;
	_ =	sdelay $0x2  }
0x76: {  	[tilespmem:s30], [sflag:$0x2] =	stream.indirect_vreg.gather [hbm4b:s1+s3], $0x80, v4, vm0, $0xb8;
	[tilespmem:$0x1E400] =	vst v63  }
0x77: {  	_ = 	snop  }
0x78: {  	[tilespmem:s31], [sflag:$0x2] =	stream.indirect_vreg.gather [hbm4b:s1+s3], $0x80, v3, vm0, $0xb8;
	[tilespmem:$0x1E400] =	vst v63  }
0x79: {  	_ =	swait.ge [sflag:s0], $0x4000  }
0x7a: {  	[sflag:s0] =	ssyncset.done $0x0  }
0x7b: {  	[sflag:s0] =	ssyncadd.s32 $0xFFFFC000  }
0x7c: {  	_ =	swait.ge [sflag:s2], $0x4000  }
0x7d: {  	[sflag:s2] =	ssyncset.done $0x0  }
0x7e: {  	s11 =	simm.s32 $0x6C0;
	[sflag:s2] =	ssyncadd.s32 $0xFFFFC000  }
.LBB2_3:
0x7f: {  	s8 =	sshra.s32 s11, $0x2  }
0x80: {  	v3 =	vld [tilespmem:s8+$0xFFFFFF50];
	_ =	sdelay $0x4  }
0x81: {  	v4 =	vshll.u32 v3, $0x1  }
0x82: {  	v3 =	vand.u32 $0x7, v3;
	v4 =	vand.u32 $0xFFFFFFF0, v4  }
0x83: {  	v3 =	vor.u32 v3, v4  }
0x84: {  	v4 =	vperm.xlane v3, v0;
	_ =	sdelay $0x1  }
0x85: {  	v3 =	vperm.xlane v3, v2;
	v4 =	vadd.s32 v1, v4;
	_ =	sdelay $0x1  }
0x86: {  	v3 =	vadd.s32 v1, v3;
	_ =	sdelay $0x2  }
0x87: {  	[tilespmem:s15], [sflag:$0x1] =	stream.indirect_vreg.gather [hbm4b:s1+s3], $0x80, v4, vm0, $0xb8;
	[tilespmem:$0x1E400] =	vst v63  }
0x88: {  	_ = 	snop  }
0x89: {  	[tilespmem:s16], [sflag:$0x1] =	stream.indirect_vreg.gather [hbm4b:s1+s3], $0x80, v3, vm0, $0xb8;
	[tilespmem:$0x1E400] =	vst v63  }
0x8a: {  	v3 =	vld [tilespmem:s8+$0xFFFFFF60];
	_ =	sdelay $0x4  }
0x8b: {  	v57 =	vshll.u32 v3, $0x1  }
0x8c: {  	v3 =	vand.u32 $0x7, v3;
	v4 =	vand.u32 $0xFFFFFFF0, v57  }
0x8d: {  	v3 =	vor.u32 v3, v4  }
0x8e: {  	v4 =	vperm.xlane v3, v0;
	_ =	sdelay $0x1  }
0x8f: {  	v3 =	vperm.xlane v3, v2;
	v4 =	vadd.s32 v1, v4;
	_ =	sdelay $0x1  }
0x90: {  	v3 =	vadd.s32 v1, v3;
	_ =	sdelay $0x2  }
0x91: {  	[tilespmem:s17], [sflag:$0x1] =	stream.indirect_vreg.gather [hbm4b:s1+s3], $0x80, v4, vm0, $0xb8;
	[tilespmem:$0x1E400] =	vst v63  }
0x92: {  	_ = 	snop  }
0x93: {  	[tilespmem:s18], [sflag:$0x1] =	stream.indirect_vreg.gather [hbm4b:s1+s3], $0x80, v3, vm0, $0xb8;
	[tilespmem:$0x1E400] =	vst v63  }
0x94: {  	v3 =	vld [tilespmem:s8+$0xFFFFFF70];
	_ =	sdelay $0x4  }
0x95: {  	v58 =	vshll.u32 v3, $0x1  }
0x96: {  	v3 =	vand.u32 $0x7, v3;
	v4 =	vand.u32 $0xFFFFFFF0, v58  }
0x97: {  	v3 =	vor.u32 v3, v4  }
0x98: {  	v4 =	vperm.xlane v3, v0;
	_ =	sdelay $0x1  }
0x99: {  	v3 =	vperm.xlane v3, v2;
	v4 =	vadd.s32 v1, v4;
	_ =	sdelay $0x1  }
0x9a: {  	v3 =	vadd.s32 v1, v3;
	_ =	sdelay $0x2  }
0x9b: {  	[tilespmem:s19], [sflag:$0x1] =	stream.indirect_vreg.gather [hbm4b:s1+s3], $0x80, v4, vm0, $0xb8;
	[tilespmem:$0x1E400] =	vst v63  }
0x9c: {  	_ = 	snop  }
0x9d: {  	[tilespmem:s20], [sflag:$0x1] =	stream.indirect_vreg.gather [hbm4b:s1+s3], $0x80, v3, vm0, $0xb8;
	[tilespmem:$0x1E400] =	vst v63  }
0x9e: {  	v3 =	vld [tilespmem:s8+$0xFFFFFF80];
	_ =	sdelay $0x4  }
0x9f: {  	v59 =	vshll.u32 v3, $0x1  }
0xa0: {  	v3 =	vand.u32 $0x7, v3;
	v4 =	vand.u32 $0xFFFFFFF0, v59  }
0xa1: {  	v3 =	vor.u32 v3, v4  }
0xa2: {  	v4 =	vperm.xlane v3, v0;
	_ =	sdelay $0x1  }
0xa3: {  	v3 =	vperm.xlane v3, v2;
	v4 =	vadd.s32 v1, v4;
	_ =	sdelay $0x1  }
0xa4: {  	v3 =	vadd.s32 v1, v3;
	_ =	sdelay $0x2  }
0xa5: {  	[tilespmem:s21], [sflag:$0x1] =	stream.indirect_vreg.gather [hbm4b:s1+s3], $0x80, v4, vm0, $0xb8;
	[tilespmem:$0x1E400] =	vst v63  }
0xa6: {  	_ = 	snop  }
0xa7: {  	[tilespmem:s22], [sflag:$0x1] =	stream.indirect_vreg.gather [hbm4b:s1+s3], $0x80, v3, vm0, $0xb8;
	[tilespmem:$0x1E400] =	vst v63  }
0xa8: {  	v3 =	vld [tilespmem:s8+$0xFFFFFFD0];
	_ =	sdelay $0x4  }
0xa9: {  	v60 =	vshll.u32 v3, $0x1  }
0xaa: {  	v3 =	vand.u32 $0x7, v3;
	v4 =	vand.u32 $0xFFFFFFF0, v60  }
0xab: {  	v3 =	vor.u32 v3, v4  }
0xac: {  	v4 =	vperm.xlane v3, v0;
	_ =	sdelay $0x1  }
0xad: {  	v3 =	vperm.xlane v3, v2;
	v4 =	vadd.s32 v1, v4;
	_ =	sdelay $0x1  }
0xae: {  	v3 =	vadd.s32 v1, v3;
	_ =	sdelay $0x2  }
0xaf: {  	[tilespmem:s23], [sflag:$0x2] =	stream.indirect_vreg.gather [hbm4b:s1+s3], $0x80, v4, vm0, $0xb8;
	[tilespmem:$0x1E400] =	vst v63  }
0xb0: {  	_ = 	snop  }
0xb1: {  	[tilespmem:s24], [sflag:$0x2] =	stream.indirect_vreg.gather [hbm4b:s1+s3], $0x80, v3, vm0, $0xb8;
	[tilespmem:$0x1E400] =	vst v63  }
0xb2: {  	v3 =	vld [tilespmem:s8+$0xFFFFFFE0];
	_ =	sdelay $0x4  }
0xb3: {  	v61 =	vshll.u32 v3, $0x1  }
0xb4: {  	v3 =	vand.u32 $0x7, v3;
	v4 =	vand.u32 $0xFFFFFFF0, v61  }
0xb5: {  	v3 =	vor.u32 v3, v4  }
0xb6: {  	v4 =	vperm.xlane v3, v0;
	_ =	sdelay $0x1  }
0xb7: {  	v3 =	vperm.xlane v3, v2;
	v4 =	vadd.s32 v1, v4;
	_ =	sdelay $0x1  }
0xb8: {  	v3 =	vadd.s32 v1, v3;
	_ =	sdelay $0x2  }
0xb9: {  	[tilespmem:s25], [sflag:$0x2] =	stream.indirect_vreg.gather [hbm4b:s1+s3], $0x80, v4, vm0, $0xb8;
	[tilespmem:$0x1E400] =	vst v63  }
0xba: {  	_ = 	snop  }
0xbb: {  	[tilespmem:s26], [sflag:$0x2] =	stream.indirect_vreg.gather [hbm4b:s1+s3], $0x80, v3, vm0, $0xb8;
	[tilespmem:$0x1E400] =	vst v63  }
0xbc: {  	v3 =	vld [tilespmem:s8+$0xFFFFFFF0];
	_ =	sdelay $0x4  }
0xbd: {  	v62 =	vshll.u32 v3, $0x1  }
0xbe: {  	v3 =	vand.u32 $0x7, v3;
	v4 =	vand.u32 $0xFFFFFFF0, v62  }
0xbf: {  	v3 =	vor.u32 v3, v4  }
0xc0: {  	v4 =	vperm.xlane v3, v0;
	_ =	sdelay $0x1  }
0xc1: {  	v3 =	vperm.xlane v3, v2;
	v4 =	vadd.s32 v1, v4;
	_ =	sdelay $0x1  }
0xc2: {  	v3 =	vadd.s32 v1, v3;
	_ =	sdelay $0x2  }
0xc3: {  	[tilespmem:s28], [sflag:$0x2] =	stream.indirect_vreg.gather [hbm4b:s1+s3], $0x80, v4, vm0, $0xb8;
	[tilespmem:$0x1E400] =	vst v63  }
0xc4: {  	_ = 	snop  }
0xc5: {  	[tilespmem:s29], [sflag:$0x2] =	stream.indirect_vreg.gather [hbm4b:s1+s3], $0x80, v3, vm0, $0xb8;
	[tilespmem:$0x1E400] =	vst v63  }
0xc6: {  	v3 =	vld [tilespmem:s8+$0x0];
	_ =	sdelay $0x4  }
0xc7: {  	v63 =	vshll.u32 v3, $0x1  }
0xc8: {  	v3 =	vand.u32 $0x7, v3;
	v4 =	vand.u32 $0xFFFFFFF0, v63  }
0xc9: {  	v3 =	vor.u32 v3, v4  }
0xca: {  	v4 =	vperm.xlane v3, v0;
	_ =	sdelay $0x1  }
0xcb: {  	v3 =	vperm.xlane v3, v2;
	v4 =	vadd.s32 v1, v4;
	_ =	sdelay $0x1  }
0xcc: {  	v3 =	vadd.s32 v1, v3;
	_ =	sdelay $0x2  }
0xcd: {  	[tilespmem:s30], [sflag:$0x2] =	stream.indirect_vreg.gather [hbm4b:s1+s3], $0x80, v4, vm0, $0xb8;
	[tilespmem:$0x1E400] =	vst v63  }
0xce: {  	_ = 	snop  }
0xcf: {  	[tilespmem:s31], [sflag:$0x2] =	stream.indirect_vreg.gather [hbm4b:s1+s3], $0x80, v3, vm0, $0xb8;
	[tilespmem:$0x1E400] =	vst v63  }
0xd0: {  	p0 =	sne.s32 s11, $0x4EC0;
	_ =	swait.ge [sflag:s0], $0x4000  }
.Ltmp0:
0xd1: {  	[sflag:s0] =	ssyncset.done $0x0;
	(pc) =	sbr.rel @p0 .LBB2_3-.Ltmp0, $4  }
0xd2: {  	[sflag:s0] =	ssyncadd.s32 $0xFFFFC000  }
0xd3: {  	_ =	swait.ge [sflag:s2], $0x4000  }
0xd4: {  	[sflag:s2] =	ssyncset.done $0x0  }
0xd5: {  	s11 =	sadd.s32 $0x400, s11;
	[sflag:s2] =	ssyncadd.s32 $0xFFFFC000  }
0xd6: {  	s10 =	sadd.s32 $0x1, s10  }
0xd7: {  	p0 =	sne.s32 s10, $0x4  }
.Ltmp1:
0xd8: {  	_ = 	snop;
	(pc) =	sbr.rel @p0 .LBB2_2-.Ltmp1, $1  }
0xd9: {  	_ =	sdelay $0x3  }
0xda: {  	[bflag:$0x0] =	sbarrier.arrive $0xFFFF  }
0xdb: {  	s8 =	rddreg [dreg:$0x5]  }
0xdc: {  	s11 =	rddreg [dreg:$0x7]  }
0xdd: {  	[hbm:s8], [sflag:s12] =	dma.local [spmem:s11], $0x2780  }
0xde: {  	_ =	swait.ge [sflag:s13], $0x2780  }
0xdf: {  	s10 =	smov.u32 s12;
	s6 =	sadd.s32 $0x1, s6;
	s12 =	rddreg [dreg:$0x6]  }
0xe0: {  	p0 =	sne.s32 s6, s12  }
.Ltmp2:
0xe1: {  	_ = 	snop;
	(pc) =	sbr.rel @p0 .LBB2_1-.Ltmp2, $3  }
0xe2: {  	_ =	sdelay $0x1  }
0xe3: {  	[sflag:s13] =	ssyncset.done $0x0  }
0xe4: {  	[sflag:s13] =	ssyncadd.s32 $0xFFFFD880  }
0xe5: {  	_ =	sfence.sel $0x180000  }
0xe6: {  	[bflag:$0x0] =	sbarrier.arrive $0xFFFF  }
0xe7: {  	_ =	strace $0x90000047  }
0xe8: {  	s0 =	stileid.u32;
	[bflag:$0x2] =	sbarrier.arrive $0xFFFF  }
0xe9: {  	p0 =	sne.s32 s0, $0x0;
	s0 =	rddreg [dreg:$0x3]  }
0xea: {  	s0 =	sadd.s32 @!p0 $0x100000, s0  }
0xeb: {  	[sflag:s0] =	ssyncadd.tile.s32 @!p0 $0x1;
	_ =	shalt  }
.Lfunc_end2:
_tile_overlayer_lowered:
.L_overlay_start_2:
0xec: {  	(tag) =	ssettag $0x2  }
0xed: {  	s0 =	rddreg [dreg:$0x0];
	s2 =	stileid.u32  }
0xee: {  	s1 =	rddreg [dreg:$0x1];
	p0 =	sne.s32 s2, $0x0  }
0xef: {  	s3 =	rddreg [dreg:$0x2];
	[bflag:$0x3] =	sbarrier.arrive $0xFFFF;
	s2 =	simm.s32 @!p0 $0x1C03  }
0xf0: {  	[timem:s3], [sflag:s2] =	dma.local @!p0 [hbm:s0], s1  }
0xf1: {  	s0 =	simm.s32 @!p0 $0x3  }
0xf2: {  	_ =	swait.ge @!p0 [sflag:s0], s1  }
0xf3: {  	s1 =	ssub.s32 @!p0 $0x0, s1;
	[sflag:s0] =	ssyncset.done @!p0 $0x0  }
0xf4: {  	[sflag:s0] =	ssyncadd.s32 @!p0 s1  }
0xf5: {  	[bflag:$0x3] =	sbarrier.arrive $0xFFFF  }
0xf6: {  	_ =	shalt  }

</sc_bundles>
